<compile_context>
chip_gen: v7x
topology: tpu7x:2x2x1
jax: 0.10.2.dev20260603
libtpu: 0.0.44.dev20260713+nightly
codegen_flags: <defaults>
</compile_context>

<pallas_src>
import functools

import jax
import jax.numpy as jnp
from jax import lax
from jax.experimental import pallas as pl
from jax.experimental.pallas import tpu as pltpu
from jax.experimental.pallas import tpu_sc as plsc

N = 2048
E = 8192
ORDER = 3
LATENT = 64
RANK = 64
NUM_PARAMS = 4
PAD = 128

NC = 2
NS = 16
NW = NC * NS
R_TOTAL = ORDER * E
CHUNK = 128
R_PER_W = R_TOTAL // NW
G_CHUNKS = R_PER_W // CHUNK
R_PER_S = R_TOTAL // NW
S_CHUNKS = R_PER_S // CHUNK
WAVE = 3
N_WAVES = S_CHUNKS // WAVE

_SC_PARAMS = pltpu.CompilerParams(use_tc_tiling_on_sc=True)


def _tc_pre_body(nodes_ref, w1_ref, b1_ref, out_ref):
    x = nodes_ref[...]
    zpad = jnp.zeros((N, PAD - RANK), jnp.float32)
    for t in range(NUM_PARAMS):
        acc = lax.dot_general(
            x, w1_ref[t], (((1,), (0,)), ((), ())),
            preferred_element_type=jnp.float32,
        )
        b = b1_ref[...]
        r = jnp.maximum(acc + lax.slice(b, (t, 0), (t + 1, RANK)), 0.0)
        out_ref[pl.ds(t * N, N), :] = jnp.concatenate([r, zpad], axis=1)


def _tc_pre(nodes, w1, b1, interpret=False):
    return pl.pallas_call(
        _tc_pre_body,
        out_shape=jax.ShapeDtypeStruct((NUM_PARAMS * N, PAD), jnp.float32),
        interpret=interpret,
    )(nodes, w1, b1)


def _sc_gather(table, idx3d):
    mesh = plsc.VectorSubcoreMesh(core_axis_name="c", subcore_axis_name="s")
    chunks_per_i = E // CHUNK

    @functools.partial(
        pl.kernel,
        out_type=jax.ShapeDtypeStruct((ORDER, E, PAD), jnp.float32),
        mesh=mesh,
        scratch_types=[
            pltpu.VMEM((G_CHUNKS, CHUNK), jnp.int32),
            pltpu.VMEM((R_PER_W, PAD), jnp.float32),
            [pltpu.SemaphoreType.DMA] * G_CHUNKS,
            pltpu.SemaphoreType.DMA,
        ],
        compiler_params=_SC_PARAMS,
    )
    def gk(table_hbm, idx_hbm, out_hbm, idx_v, rows_v, sems, sem_wb):
        wid = lax.axis_index("s") * NC + lax.axis_index("c")
        pltpu.sync_copy(idx_hbm.at[wid], idx_v)
        copies = []
        for j in range(G_CHUNKS):
            copies.append(
                pltpu.async_copy(
                    table_hbm.at[idx_v.at[j]],
                    rows_v.at[pl.ds(j * CHUNK, CHUNK)],
                    sems[j],
                )
            )
        wbs = []
        for j in range(G_CHUNKS):
            c = wid * G_CHUNKS + j
            ic = c // chunks_per_i
            eo = pl.multiple_of((c % chunks_per_i) * CHUNK, CHUNK)
            copies[j].wait()
            wbs.append(
                pltpu.async_copy(
                    rows_v.at[pl.ds(j * CHUNK, CHUNK)],
                    out_hbm.at[ic, pl.ds(eo, CHUNK)],
                    sem_wb,
                )
            )
        for w in wbs:
            w.wait()

    return gk(table, idx3d)


def _sc_scatter_add(msgs, idx4d, zeros):
    mesh = plsc.VectorSubcoreMesh(core_axis_name="c", subcore_axis_name="s")
    chunks_per_i = E // CHUNK

    @functools.partial(
        pl.kernel,
        out_type=jax.ShapeDtypeStruct((NC, N, PAD), jnp.float32),
        mesh=mesh,
        scratch_types=[
            pltpu.VMEM((S_CHUNKS, CHUNK), jnp.int32),
            [pltpu.VMEM((WAVE * CHUNK, PAD), jnp.float32)] * 2,
            pltpu.VMEM_SHARED((N, PAD), jnp.float32),
            pltpu.SemaphoreType.DMA,
            [pltpu.SemaphoreType.DMA] * 2,
            [pltpu.SemaphoreType.DMA] * 2,
        ],
        compiler_params=_SC_PARAMS,
    )
    def sk(msgs_hbm, idx_hbm, zeros_hbm, out_hbm, idx_v, bufs, acc, sem_z, sems_in, sems_sc):
        cid = lax.axis_index("c")
        sid = lax.axis_index("s")
        rows_per_tile = N // NS
        zcp = pltpu.async_copy(
            zeros_hbm.at[pl.ds(sid * rows_per_tile, rows_per_tile)],
            acc.at[pl.ds(sid * rows_per_tile, rows_per_tile)],
            sem_z,
        )
        pltpu.sync_copy(idx_hbm.at[cid, sid], idx_v)

        def fire_loads(w, slot):
            ld = []
            for k in range(WAVE):
                c = (cid * NS + sid) * S_CHUNKS + w * WAVE + k
                ic = c // chunks_per_i
                eo = pl.multiple_of((c % chunks_per_i) * CHUNK, CHUNK)
                ld.append(
                    pltpu.async_copy(
                        msgs_hbm.at[ic, pl.ds(eo, CHUNK)],
                        bufs[slot].at[pl.ds(k * CHUNK, CHUNK)],
                        sems_in[slot],
                    )
                )
            return ld

        loads = [fire_loads(0, 0), fire_loads(1, 1)]
        zcp.wait()
        plsc.subcore_barrier()
        pending = [None, None]
        for w in range(N_WAVES):
            slot = w % 2
            for ld in loads[slot]:
                ld.wait()
            adds = []
            for k in range(WAVE):
                adds.append(
                    pltpu.async_copy(
                        bufs[slot].at[pl.ds(k * CHUNK, CHUNK)],
                        acc.at[idx_v.at[w * WAVE + k]],
                        sems_sc[slot],
                        add=True,
                    )
                )
            pending[slot] = adds
            if w + 2 < N_WAVES:
                for a in adds:
                    a.wait()
                pending[slot] = None
                loads[slot] = fire_loads(w + 2, slot)
        for adds in pending:
            if adds is not None:
                for a in adds:
                    a.wait()
        plsc.subcore_barrier()
        out_rows = N // NS
        start = sid * out_rows
        pltpu.sync_copy(
            acc.at[pl.ds(start, out_rows)],
            out_hbm.at[cid, pl.ds(start, out_rows)],
        )

    return sk(msgs, idx4d, zeros)


BE = 2048


def _tc_dense_body(tr_ref, ids_ref, w2_ref, b2_ref, out_ref):
    ids = ids_ref[...]
    masks = []
    for i in range(ORDER):
        idv = lax.slice(ids, (0, i), (BE, i + 1))
        masks.append([idv == t for t in range(NUM_PARAMS - 1)])
    transforms = [
        lax.slice(tr_ref[i], (0, 0), (BE, RANK)) for i in range(ORDER)
    ]
    facts = [
        transforms[1] * transforms[2],
        transforms[0] * transforms[2],
        transforms[0] * transforms[1],
    ]
    zpad = jnp.zeros((BE, PAD - LATENT), jnp.float32)
    for i in range(ORDER):
        w2 = w2_ref[i]
        b2 = b2_ref[i]
        ys = []
        for t in range(NUM_PARAMS):
            y = lax.dot_general(
                facts[i], lax.slice(w2, (t * RANK, 0), ((t + 1) * RANK, LATENT)),
                (((1,), (0,)), ((), ())),
                preferred_element_type=jnp.float32,
            )
            ys.append(y + lax.slice(b2, (t, 0), (t + 1, LATENT)))
        m = masks[i]
        msg = jnp.where(
            m[0], ys[0], jnp.where(m[1], ys[1], jnp.where(m[2], ys[2], ys[3]))
        )
        out_ref[i] = jnp.concatenate([msg, zpad], axis=1)


def _tc_dense(transforms, ids, w2, b2, interpret=False):
    nb = E // BE
    return pl.pallas_call(
        _tc_dense_body,
        out_shape=jax.ShapeDtypeStruct((ORDER, E, PAD), jnp.float32),
        grid=(nb,),
        in_specs=[
            pl.BlockSpec((ORDER, BE, PAD), lambda b: (0, b, 0)),
            pl.BlockSpec((BE, ORDER), lambda b: (b, 0)),
            pl.BlockSpec((ORDER, NUM_PARAMS * RANK, LATENT), lambda b: (0, 0, 0)),
            pl.BlockSpec((ORDER, NUM_PARAMS, LATENT), lambda b: (0, 0, 0)),
        ],
        out_specs=pl.BlockSpec((ORDER, BE, PAD), lambda b: (0, b, 0)),
        interpret=interpret,
    )(transforms, ids, w2, b2)


def kernel(nodes, edges, edge_types, atoms, atom_edges, params, bias, ho_params, ho_bias):
    del atoms, atom_edges
    b1 = bias[:, 0, :]
    table = _tc_pre(nodes, params, b1)
    gidx = (edge_types.T.astype(jnp.int32) * N + edges.T.astype(jnp.int32))
    idx_g = gidx.reshape(NW, G_CHUNKS, CHUNK)
    idx_s = edges.T.reshape(NC, NS, S_CHUNKS, CHUNK)
    tr = _sc_gather(table, idx_g)
    w2 = ho_params.reshape(ORDER, NUM_PARAMS * RANK, LATENT)
    b2 = ho_bias[:, :, 0, :]
    msgs = _tc_dense(tr, edge_types, w2, b2)
    zeros = jnp.zeros((N, PAD), jnp.float32)
    parts = _sc_scatter_add(msgs, idx_s, zeros)
    out = parts[0] + parts[1]
    return lax.slice(out, (0, 0), (N, LATENT))

# --- scband reference (transcript-rebuilt; emitter-appended) ---
"""Pipeline reference for scband-bpnet-57836029608016 (READ-ONLY COPY).

The authoritative reference and input builder live on the scoring server;
editing this copy changes nothing except your own understanding.
"""

import jax, jax.numpy as jnp
import numpy as np

N = 2048
E = 8192
ORDER = 3
LATENT = 64
RANK = 64
NUM_ITERS = 2
NUM_PARAMS = ORDER + 1  # BT mode


def setup_inputs(seed: int = 0):
    key = jax.random.key(seed)
    ks = jax.random.split(key, 10)
    nodes = jax.random.normal(ks[0], (N, LATENT), dtype=jnp.float32)
    edges = jax.random.randint(ks[1], (E, ORDER), 0, N)
    edge_types = jax.random.randint(ks[2], (E, ORDER), 0, NUM_PARAMS)
    atoms = jax.random.randint(ks[3], (E,), 0, 7)
    atom_edges = jax.random.randint(ks[4], (E, ORDER), 0, 7)
    stdv1 = 1.0 / np.sqrt(RANK)
    params = jax.random.uniform(ks[5], (NUM_PARAMS, LATENT, RANK), dtype=jnp.float32, minval=-stdv1, maxval=stdv1)
    bias = jax.random.uniform(ks[6], (NUM_PARAMS, 1, RANK), dtype=jnp.float32, minval=-stdv1, maxval=stdv1)
    stdv2 = 1.0 / np.sqrt(LATENT)
    ho_params = jax.random.uniform(ks[7], (ORDER, NUM_PARAMS, RANK, LATENT), dtype=jnp.float32, minval=-stdv2, maxval=stdv2)
    ho_bias = jax.random.uniform(ks[8], (ORDER, NUM_PARAMS, 1, LATENT), dtype=jnp.float32, minval=-stdv2, maxval=stdv2)
    return {"nodes": nodes, "edges": edges, "edge_types": edge_types, "atoms": atoms,
            "atom_edges": atom_edges, "params": params, "bias": bias,
            "ho_params": ho_params, "ho_bias": ho_bias}


def reference(nodes, edges, edge_types, atoms, atom_edges, params, bias, ho_params, ho_bias):
    E_ = edges.shape[0]
    order = edges.shape[1]
    numer = jnp.arange(E_)
    nodes_to_edges = []
    transform_lst = []
    for i in range(order):
        # dense N x E incidence matrix (faithful to torch view(-1) scatter of ones)
        n2e = jnp.zeros((nodes.shape[0], E_), dtype=nodes.dtype).at[edges[:, i], numer].set(1.0)
        nodes_to_edges.append(n2e)
        rnodes = nodes[edges[:, i]]                      # gather [E, LATENT]
        ids = edge_types[:, i]                           # BT mode
        W = jnp.take(params, ids, axis=0)                # [E, LATENT, RANK]
        b = jnp.take(bias, ids, axis=0)                  # [E, 1, RANK]
        transform = (rnodes[:, None, :] @ W + b)[:, 0, :]  # [E, RANK]
        transform_lst.append(transform[None])
    transform_cat = jax.nn.relu(jnp.concatenate(transform_lst, axis=0))  # [order, E, RANK]
    node_msg = None
    for itr in range(NUM_ITERS):
        inp_x = transform_cat
        msg_x = []
        for i in range(order):
            # HighorderNet[i].forward(inp=inp_x, msg_to=i, ...)
            facts = [inp_x[j][..., None] for j in range(order) if j != i]
            fact = jnp.concatenate(facts, axis=-1)       # [E, RANK, order-1]
            fact_prod = jnp.prod(fact, axis=-1)          # [E, RANK]
            ids = edge_types[:, i]
            Wh = jnp.take(ho_params[i], ids, axis=0)     # [E, RANK, LATENT]
            bh = jnp.take(ho_bias[i], ids, axis=0)       # [E, 1, LATENT]
            t = (fact_prod[:, None, :] @ Wh + bh)[:, 0, :]  # [E, LATENT]
            msg_x.append(t)
            if i == 0:
                node_msg = nodes_to_edges[i] @ msg_x[i]
            else:
                node_msg = node_msg + nodes_to_edges[i] @ msg_x[i]
    return node_msg

if __name__ == "__main__":
    import jax
    _d = setup_inputs()
    print(jax.jit(kernel)(*tuple(_d.values())))

</pallas_src>

<mosaic_0001>
#map = affine_map<(d0, d1) -> (0, 0, 0)>
#map1 = affine_map<(d0, d1) -> (0, 0, 0, 0)>
#map2 = affine_map<(d0, d1) -> (0, 0)>
module attributes {stable_mosaic.version = 14 : i64} {
  func.func @sk(%arg0: i32, %arg1: i32, %arg2: memref<3x8192x128xf32, #tpu.memory_space<hbm>>, %arg3: memref<2x16x6x128xi32, #tpu.memory_space<hbm>>, %arg4: memref<2048x128xf32, #tpu.memory_space<hbm>>, %arg5: memref<2x2048x128xf32, #tpu.memory_space<hbm>>, %arg6: memref<6x128xi32, #tpu.memory_space<vmem>>, %arg7: memref<384x128xf32, #tpu.memory_space<vmem>>, %arg8: memref<384x128xf32, #tpu.memory_space<vmem>>, %arg9: memref<2048x128xf32, #tpu.memory_space<vmem_shared>>, %arg10: memref<!tpu.dma_semaphore, #tpu.memory_space<semaphore_mem>>, %arg11: memref<!tpu.dma_semaphore, #tpu.memory_space<semaphore_mem>>, %arg12: memref<!tpu.dma_semaphore, #tpu.memory_space<semaphore_mem>>, %arg13: memref<!tpu.dma_semaphore, #tpu.memory_space<semaphore_mem>>, %arg14: memref<!tpu.dma_semaphore, #tpu.memory_space<semaphore_mem>>) attributes {dimension_semantics = [#tpu.dimension_semantics<core_parallel>, #tpu.dimension_semantics<subcore_parallel>], iteration_bounds = array<i64: 2, 16>, scalar_prefetch = 0 : i64, scratch_operands = 9 : i64, tpu.core_type = #tpu.core_type<sc_vector_subcore>, window_params = [{transform_indices = #map}, {transform_indices = #map1}, {transform_indices = #map2}, {transform_indices = #map}]} {
    %mul3A = arith.constant 128 : i32
    %mul3A_0 = arith.muli %arg1, %mul3A : i32
    %mul3A_1 = arith.constant 128 : i32
    %mul3A_2 = arith.muli %arg1, %mul3A_1 : i32
    %dma_start3A = arith.constant 0 : i32
    %dma_start3A_3 = tpu.memref_slice %arg9[%mul3A_2, %dma_start3A] : memref<2048x128xf32, #tpu.memory_space<vmem_shared>> -> memref<128x128xf32, #tpu.memory_space<vmem_shared>>
    %dma_start3A_4 = arith.constant 0 : i32
    %dma_start3A_5 = tpu.memref_slice %arg4[%mul3A_0, %dma_start3A_4] : memref<2048x128xf32, #tpu.memory_space<hbm>> -> memref<128x128xf32, #tpu.memory_space<hbm>>
    tpu.enqueue_dma source(%dma_start3A_5 : memref<128x128xf32, #tpu.memory_space<hbm>>) target(%dma_start3A_3 : memref<128x128xf32, #tpu.memory_space<vmem_shared>>) target_semaphore(%arg10 : memref<!tpu.dma_semaphore, #tpu.memory_space<semaphore_mem>>)
    "tpu.region"() ({
      %run_scoped3A = tpu.sem_alloc : memref<!tpu.dma_semaphore, #tpu.memory_space<semaphore_mem>>
      %dma_start3A_576 = arith.constant 0 : i32
      %dma_start3A_577 = arith.constant 0 : i32
      %dma_start3A_578 = tpu.memref_slice %arg3[%arg0, %arg1, %dma_start3A_576, %dma_start3A_577] : memref<2x16x6x128xi32, #tpu.memory_space<hbm>> -> memref<1x1x6x128xi32, #tpu.memory_space<hbm>>
      %dma_start3A_579 = tpu.memref_squeeze %dma_start3A_578 : memref<1x1x6x128xi32, #tpu.memory_space<hbm>> -> memref<6x128xi32, #tpu.memory_space<hbm>>
      %dma_start3A_580 = arith.constant 0 : i32
      %dma_start3A_581 = arith.constant 0 : i32
      %dma_start3A_582 = tpu.memref_slice %arg3[%arg0, %arg1, %dma_start3A_580, %dma_start3A_581] : memref<2x16x6x128xi32, #tpu.memory_space<hbm>> -> memref<1x1x6x128xi32, #tpu.memory_space<hbm>>
      %dma_start3A_583 = tpu.memref_squeeze %dma_start3A_582 : memref<1x1x6x128xi32, #tpu.memory_space<hbm>> -> memref<6x128xi32, #tpu.memory_space<hbm>>
      tpu.enqueue_dma source(%dma_start3A_583 : memref<6x128xi32, #tpu.memory_space<hbm>>) target(%arg6 : memref<6x128xi32, #tpu.memory_space<vmem>>) target_semaphore(%run_scoped3A : memref<!tpu.dma_semaphore, #tpu.memory_space<semaphore_mem>>)
      %dma_wait3A_584 = arith.constant 0 : i32
      %dma_wait3A_585 = arith.constant 0 : i32
      %dma_wait3A_586 = tpu.memref_slice %arg3[%arg0, %arg1, %dma_wait3A_584, %dma_wait3A_585] : memref<2x16x6x128xi32, #tpu.memory_space<hbm>> -> memref<1x1x6x128xi32, #tpu.memory_space<hbm>>
      %dma_wait3A_587 = tpu.memref_squeeze %dma_wait3A_586 : memref<1x1x6x128xi32, #tpu.memory_space<hbm>> -> memref<6x128xi32, #tpu.memory_space<hbm>>
      %dma_wait3A_588 = arith.constant 0 : i32
      %dma_wait3A_589 = arith.constant 0 : i32
      %dma_wait3A_590 = tpu.memref_slice %arg3[%arg0, %arg1, %dma_wait3A_588, %dma_wait3A_589] : memref<2x16x6x128xi32, #tpu.memory_space<hbm>> -> memref<1x1x6x128xi32, #tpu.memory_space<hbm>>
      %dma_wait3A_591 = tpu.memref_squeeze %dma_wait3A_590 : memref<1x1x6x128xi32, #tpu.memory_space<hbm>> -> memref<6x128xi32, #tpu.memory_space<hbm>>
      tpu.wait_dma2 semaphore(%run_scoped3A : memref<!tpu.dma_semaphore, #tpu.memory_space<semaphore_mem>>) src(%dma_wait3A_591 : memref<6x128xi32, #tpu.memory_space<hbm>>) dst(%arg6 : memref<6x128xi32, #tpu.memory_space<vmem>>)
      tpu.yield
    }) : () -> ()
    %mul3A_6 = arith.constant 16 : i32
    %mul3A_7 = arith.muli %arg0, %mul3A_6 : i32
    %add3A = arith.addi %mul3A_7, %arg1 : i32
    %mul3A_8 = arith.constant 6 : i32
    %mul3A_9 = arith.muli %add3A, %mul3A_8 : i32
    %add3A_10 = arith.constant 0 : i32
    %add3A_11 = arith.addi %mul3A_9, %add3A_10 : i32
    %add3A_12 = arith.constant 0 : i32
    %add3A_13 = arith.addi %add3A_11, %add3A_12 : i32
    %jit3A = arith.constant 64 : i32
    %div3A = arith.divsi %add3A_13, %jit3A : i32
    %sign3A = arith.constant 0 : i32
    %sign3A_14 = arith.cmpi sgt, %add3A_13, %sign3A : i32
    %sign3A_15 = arith.extui %sign3A_14 : i1 to i32
    %sign3A_16 = arith.constant 0 : i32
    %sign3A_17 = arith.cmpi slt, %add3A_13, %sign3A_16 : i32
    %sign3A_18 = arith.extui %sign3A_17 : i1 to i32
    %sign3A_19 = arith.subi %sign3A_15, %sign3A_18 : i32
    %sign3A_20 = arith.constant 0 : i32
    %sign3A_21 = arith.cmpi sgt, %jit3A, %sign3A_20 : i32
    %sign3A_22 = arith.extui %sign3A_21 : i1 to i32
    %sign3A_23 = arith.constant 0 : i32
    %sign3A_24 = arith.cmpi slt, %jit3A, %sign3A_23 : i32
    %sign3A_25 = arith.extui %sign3A_24 : i1 to i32
    %sign3A_26 = arith.subi %sign3A_22, %sign3A_25 : i32
    %ne3A = arith.cmpi ne, %sign3A_19, %sign3A_26 : i32
    %rem3A = arith.remsi %add3A_13, %jit3A : i32
    %ne3A_27 = arith.constant 0 : i32
    %ne3A_28 = arith.cmpi ne, %rem3A, %ne3A_27 : i32
    %and3A = arith.andi %ne3A, %ne3A_28 : i1
    %sub3A = arith.constant 1 : i32
    %sub3A_29 = arith.subi %div3A, %sub3A : i32
    %select_n3A = arith.select %and3A, %sub3A_29, %div3A : i32
    %jit3A_30 = arith.constant 64 : i32
    %eq3A = arith.constant 0 : i32
    %eq3A_31 = arith.cmpi eq, %jit3A_30, %eq3A : i32
    %jit3A_32 = arith.constant 1 : i32
    %select_n3A_33 = arith.select %eq3A_31, %jit3A_32, %jit3A_30 : i32
    %rem3A_34 = arith.remsi %add3A_13, %select_n3A_33 : i32
    %ne3A_35 = arith.constant 0 : i32
    %ne3A_36 = arith.cmpi ne, %rem3A_34, %ne3A_35 : i32
    %lt3A = arith.constant 0 : i32
    %lt3A_37 = arith.cmpi slt, %rem3A_34, %lt3A : i32
    %lt3A_38 = arith.constant 0 : i32
    %lt3A_39 = arith.cmpi slt, %select_n3A_33, %lt3A_38 : i32
    %ne3A_40 = arith.xori %lt3A_37, %lt3A_39 : i1
    %and3A_41 = arith.andi %ne3A_40, %ne3A_36 : i1
    %add3A_42 = arith.addi %rem3A_34, %select_n3A_33 : i32
    %select_n3A_43 = arith.select %and3A_41, %add3A_42, %rem3A_34 : i32
    %mul3A_44 = arith.constant 128 : i32
    %mul3A_45 = arith.muli %select_n3A_43, %mul3A_44 : i32
    %multiple_of3A = tpu.assume_multiple %mul3A_45, 128 : i32
    %dma_start3A_46 = arith.constant 0 : i32
    %dma_start3A_47 = arith.constant 0 : i32
    %dma_start3A_48 = tpu.memref_slice %arg7[%dma_start3A_46, %dma_start3A_47] : memref<384x128xf32, #tpu.memory_space<vmem>> -> memref<128x128xf32, #tpu.memory_space<vmem>>
    %dma_start3A_49 = arith.constant 0 : i32
    %dma_start3A_50 = tpu.memref_slice %arg2[%select_n3A, %multiple_of3A, %dma_start3A_49] : memref<3x8192x128xf32, #tpu.memory_space<hbm>> -> memref<1x128x128xf32, #tpu.memory_space<hbm>>
    %dma_start3A_51 = tpu.memref_squeeze %dma_start3A_50 : memref<1x128x128xf32, #tpu.memory_space<hbm>> -> memref<128x128xf32, #tpu.memory_space<hbm>>
    %dma_start3A_52 = arith.constant 0 : i32
    %dma_start3A_53 = arith.constant 0 : i32
    %dma_start3A_54 = tpu.memref_slice %arg7[%dma_start3A_52, %dma_start3A_53] : memref<384x128xf32, #tpu.memory_space<vmem>> -> memref<128x128xf32, #tpu.memory_space<vmem>>
    %dma_start3A_55 = arith.constant 0 : i32
    %dma_start3A_56 = tpu.memref_slice %arg2[%select_n3A, %multiple_of3A, %dma_start3A_55] : memref<3x8192x128xf32, #tpu.memory_space<hbm>> -> memref<1x128x128xf32, #tpu.memory_space<hbm>>
    %dma_start3A_57 = tpu.memref_squeeze %dma_start3A_56 : memref<1x128x128xf32, #tpu.memory_space<hbm>> -> memref<128x128xf32, #tpu.memory_space<hbm>>
    tpu.enqueue_dma source(%dma_start3A_57 : memref<128x128xf32, #tpu.memory_space<hbm>>) target(%dma_start3A_54 : memref<128x128xf32, #tpu.memory_space<vmem>>) target_semaphore(%arg11 : memref<!tpu.dma_semaphore, #tpu.memory_space<semaphore_mem>>)
    %mul3A_58 = arith.constant 16 : i32
    %mul3A_59 = arith.muli %arg0, %mul3A_58 : i32
    %add3A_60 = arith.addi %mul3A_59, %arg1 : i32
    %mul3A_61 = arith.constant 6 : i32
    %mul3A_62 = arith.muli %add3A_60, %mul3A_61 : i32
    %add3A_63 = arith.constant 0 : i32
    %add3A_64 = arith.addi %mul3A_62, %add3A_63 : i32
    %add3A_65 = arith.constant 1 : i32
    %add3A_66 = arith.addi %add3A_64, %add3A_65 : i32
    %jit3A_67 = arith.constant 64 : i32
    %div3A_68 = arith.divsi %add3A_66, %jit3A_67 : i32
    %sign3A_69 = arith.constant 0 : i32
    %sign3A_70 = arith.cmpi sgt, %add3A_66, %sign3A_69 : i32
    %sign3A_71 = arith.extui %sign3A_70 : i1 to i32
    %sign3A_72 = arith.constant 0 : i32
    %sign3A_73 = arith.cmpi slt, %add3A_66, %sign3A_72 : i32
    %sign3A_74 = arith.extui %sign3A_73 : i1 to i32
    %sign3A_75 = arith.subi %sign3A_71, %sign3A_74 : i32
    %sign3A_76 = arith.constant 0 : i32
    %sign3A_77 = arith.cmpi sgt, %jit3A_67, %sign3A_76 : i32
    %sign3A_78 = arith.extui %sign3A_77 : i1 to i32
    %sign3A_79 = arith.constant 0 : i32
    %sign3A_80 = arith.cmpi slt, %jit3A_67, %sign3A_79 : i32
    %sign3A_81 = arith.extui %sign3A_80 : i1 to i32
    %sign3A_82 = arith.subi %sign3A_78, %sign3A_81 : i32
    %ne3A_83 = arith.cmpi ne, %sign3A_75, %sign3A_82 : i32
    %rem3A_84 = arith.remsi %add3A_66, %jit3A_67 : i32
    %ne3A_85 = arith.constant 0 : i32
    %ne3A_86 = arith.cmpi ne, %rem3A_84, %ne3A_85 : i32
    %and3A_87 = arith.andi %ne3A_83, %ne3A_86 : i1
    %sub3A_88 = arith.constant 1 : i32
    %sub3A_89 = arith.subi %div3A_68, %sub3A_88 : i32
    %select_n3A_90 = arith.select %and3A_87, %sub3A_89, %div3A_68 : i32
    %jit3A_91 = arith.constant 64 : i32
    %eq3A_92 = arith.constant 0 : i32
    %eq3A_93 = arith.cmpi eq, %jit3A_91, %eq3A_92 : i32
    %jit3A_94 = arith.constant 1 : i32
    %select_n3A_95 = arith.select %eq3A_93, %jit3A_94, %jit3A_91 : i32
    %rem3A_96 = arith.remsi %add3A_66, %select_n3A_95 : i32
    %ne3A_97 = arith.constant 0 : i32
    %ne3A_98 = arith.cmpi ne, %rem3A_96, %ne3A_97 : i32
    %lt3A_99 = arith.constant 0 : i32
    %lt3A_100 = arith.cmpi slt, %rem3A_96, %lt3A_99 : i32
    %lt3A_101 = arith.constant 0 : i32
    %lt3A_102 = arith.cmpi slt, %select_n3A_95, %lt3A_101 : i32
    %ne3A_103 = arith.xori %lt3A_100, %lt3A_102 : i1
    %and3A_104 = arith.andi %ne3A_103, %ne3A_98 : i1
    %add3A_105 = arith.addi %rem3A_96, %select_n3A_95 : i32
    %select_n3A_106 = arith.select %and3A_104, %add3A_105, %rem3A_96 : i32
    %mul3A_107 = arith.constant 128 : i32
    %mul3A_108 = arith.muli %select_n3A_106, %mul3A_107 : i32
    %multiple_of3A_109 = tpu.assume_multiple %mul3A_108, 128 : i32
    %dma_start3A_110 = arith.constant 128 : i32
    %dma_start3A_111 = arith.constant 0 : i32
    %dma_start3A_112 = tpu.memref_slice %arg7[%dma_start3A_110, %dma_start3A_111] : memref<384x128xf32, #tpu.memory_space<vmem>> -> memref<128x128xf32, #tpu.memory_space<vmem>>
    %dma_start3A_113 = arith.constant 0 : i32
    %dma_start3A_114 = tpu.memref_slice %arg2[%select_n3A_90, %multiple_of3A_109, %dma_start3A_113] : memref<3x8192x128xf32, #tpu.memory_space<hbm>> -> memref<1x128x128xf32, #tpu.memory_space<hbm>>
    %dma_start3A_115 = tpu.memref_squeeze %dma_start3A_114 : memref<1x128x128xf32, #tpu.memory_space<hbm>> -> memref<128x128xf32, #tpu.memory_space<hbm>>
    %dma_start3A_116 = arith.constant 128 : i32
    %dma_start3A_117 = arith.constant 0 : i32
    %dma_start3A_118 = tpu.memref_slice %arg7[%dma_start3A_116, %dma_start3A_117] : memref<384x128xf32, #tpu.memory_space<vmem>> -> memref<128x128xf32, #tpu.memory_space<vmem>>
    %dma_start3A_119 = arith.constant 0 : i32
    %dma_start3A_120 = tpu.memref_slice %arg2[%select_n3A_90, %multiple_of3A_109, %dma_start3A_119] : memref<3x8192x128xf32, #tpu.memory_space<hbm>> -> memref<1x128x128xf32, #tpu.memory_space<hbm>>
    %dma_start3A_121 = tpu.memref_squeeze %dma_start3A_120 : memref<1x128x128xf32, #tpu.memory_space<hbm>> -> memref<128x128xf32, #tpu.memory_space<hbm>>
    tpu.enqueue_dma source(%dma_start3A_121 : memref<128x128xf32, #tpu.memory_space<hbm>>) target(%dma_start3A_118 : memref<128x128xf32, #tpu.memory_space<vmem>>) target_semaphore(%arg11 : memref<!tpu.dma_semaphore, #tpu.memory_space<semaphore_mem>>)
    %mul3A_122 = arith.constant 16 : i32
    %mul3A_123 = arith.muli %arg0, %mul3A_122 : i32
    %add3A_124 = arith.addi %mul3A_123, %arg1 : i32
    %mul3A_125 = arith.constant 6 : i32
    %mul3A_126 = arith.muli %add3A_124, %mul3A_125 : i32
    %add3A_127 = arith.constant 0 : i32
    %add3A_128 = arith.addi %mul3A_126, %add3A_127 : i32
    %add3A_129 = arith.constant 2 : i32
    %add3A_130 = arith.addi %add3A_128, %add3A_129 : i32
    %jit3A_131 = arith.constant 64 : i32
    %div3A_132 = arith.divsi %add3A_130, %jit3A_131 : i32
    %sign3A_133 = arith.constant 0 : i32
    %sign3A_134 = arith.cmpi sgt, %add3A_130, %sign3A_133 : i32
    %sign3A_135 = arith.extui %sign3A_134 : i1 to i32
    %sign3A_136 = arith.constant 0 : i32
    %sign3A_137 = arith.cmpi slt, %add3A_130, %sign3A_136 : i32
    %sign3A_138 = arith.extui %sign3A_137 : i1 to i32
    %sign3A_139 = arith.subi %sign3A_135, %sign3A_138 : i32
    %sign3A_140 = arith.constant 0 : i32
    %sign3A_141 = arith.cmpi sgt, %jit3A_131, %sign3A_140 : i32
    %sign3A_142 = arith.extui %sign3A_141 : i1 to i32
    %sign3A_143 = arith.constant 0 : i32
    %sign3A_144 = arith.cmpi slt, %jit3A_131, %sign3A_143 : i32
    %sign3A_145 = arith.extui %sign3A_144 : i1 to i32
    %sign3A_146 = arith.subi %sign3A_142, %sign3A_145 : i32
    %ne3A_147 = arith.cmpi ne, %sign3A_139, %sign3A_146 : i32
    %rem3A_148 = arith.remsi %add3A_130, %jit3A_131 : i32
    %ne3A_149 = arith.constant 0 : i32
    %ne3A_150 = arith.cmpi ne, %rem3A_148, %ne3A_149 : i32
    %and3A_151 = arith.andi %ne3A_147, %ne3A_150 : i1
    %sub3A_152 = arith.constant 1 : i32
    %sub3A_153 = arith.subi %div3A_132, %sub3A_152 : i32
    %select_n3A_154 = arith.select %and3A_151, %sub3A_153, %div3A_132 : i32
    %jit3A_155 = arith.constant 64 : i32
    %eq3A_156 = arith.constant 0 : i32
    %eq3A_157 = arith.cmpi eq, %jit3A_155, %eq3A_156 : i32
    %jit3A_158 = arith.constant 1 : i32
    %select_n3A_159 = arith.select %eq3A_157, %jit3A_158, %jit3A_155 : i32
    %rem3A_160 = arith.remsi %add3A_130, %select_n3A_159 : i32
    %ne3A_161 = arith.constant 0 : i32
    %ne3A_162 = arith.cmpi ne, %rem3A_160, %ne3A_161 : i32
    %lt3A_163 = arith.constant 0 : i32
    %lt3A_164 = arith.cmpi slt, %rem3A_160, %lt3A_163 : i32
    %lt3A_165 = arith.constant 0 : i32
    %lt3A_166 = arith.cmpi slt, %select_n3A_159, %lt3A_165 : i32
    %ne3A_167 = arith.xori %lt3A_164, %lt3A_166 : i1
    %and3A_168 = arith.andi %ne3A_167, %ne3A_162 : i1
    %add3A_169 = arith.addi %rem3A_160, %select_n3A_159 : i32
    %select_n3A_170 = arith.select %and3A_168, %add3A_169, %rem3A_160 : i32
    %mul3A_171 = arith.constant 128 : i32
    %mul3A_172 = arith.muli %select_n3A_170, %mul3A_171 : i32
    %multiple_of3A_173 = tpu.assume_multiple %mul3A_172, 128 : i32
    %dma_start3A_174 = arith.constant 256 : i32
    %dma_start3A_175 = arith.constant 0 : i32
    %dma_start3A_176 = tpu.memref_slice %arg7[%dma_start3A_174, %dma_start3A_175] : memref<384x128xf32, #tpu.memory_space<vmem>> -> memref<128x128xf32, #tpu.memory_space<vmem>>
    %dma_start3A_177 = arith.constant 0 : i32
    %dma_start3A_178 = tpu.memref_slice %arg2[%select_n3A_154, %multiple_of3A_173, %dma_start3A_177] : memref<3x8192x128xf32, #tpu.memory_space<hbm>> -> memref<1x128x128xf32, #tpu.memory_space<hbm>>
    %dma_start3A_179 = tpu.memref_squeeze %dma_start3A_178 : memref<1x128x128xf32, #tpu.memory_space<hbm>> -> memref<128x128xf32, #tpu.memory_space<hbm>>
    %dma_start3A_180 = arith.constant 256 : i32
    %dma_start3A_181 = arith.constant 0 : i32
    %dma_start3A_182 = tpu.memref_slice %arg7[%dma_start3A_180, %dma_start3A_181] : memref<384x128xf32, #tpu.memory_space<vmem>> -> memref<128x128xf32, #tpu.memory_space<vmem>>
    %dma_start3A_183 = arith.constant 0 : i32
    %dma_start3A_184 = tpu.memref_slice %arg2[%select_n3A_154, %multiple_of3A_173, %dma_start3A_183] : memref<3x8192x128xf32, #tpu.memory_space<hbm>> -> memref<1x128x128xf32, #tpu.memory_space<hbm>>
    %dma_start3A_185 = tpu.memref_squeeze %dma_start3A_184 : memref<1x128x128xf32, #tpu.memory_space<hbm>> -> memref<128x128xf32, #tpu.memory_space<hbm>>
    tpu.enqueue_dma source(%dma_start3A_185 : memref<128x128xf32, #tpu.memory_space<hbm>>) target(%dma_start3A_182 : memref<128x128xf32, #tpu.memory_space<vmem>>) target_semaphore(%arg11 : memref<!tpu.dma_semaphore, #tpu.memory_space<semaphore_mem>>)
    %mul3A_186 = arith.constant 16 : i32
    %mul3A_187 = arith.muli %arg0, %mul3A_186 : i32
    %add3A_188 = arith.addi %mul3A_187, %arg1 : i32
    %mul3A_189 = arith.constant 6 : i32
    %mul3A_190 = arith.muli %add3A_188, %mul3A_189 : i32
    %add3A_191 = arith.constant 3 : i32
    %add3A_192 = arith.addi %mul3A_190, %add3A_191 : i32
    %add3A_193 = arith.constant 0 : i32
    %add3A_194 = arith.addi %add3A_192, %add3A_193 : i32
    %jit3A_195 = arith.constant 64 : i32
    %div3A_196 = arith.divsi %add3A_194, %jit3A_195 : i32
    %sign3A_197 = arith.constant 0 : i32
    %sign3A_198 = arith.cmpi sgt, %add3A_194, %sign3A_197 : i32
    %sign3A_199 = arith.extui %sign3A_198 : i1 to i32
    %sign3A_200 = arith.constant 0 : i32
    %sign3A_201 = arith.cmpi slt, %add3A_194, %sign3A_200 : i32
    %sign3A_202 = arith.extui %sign3A_201 : i1 to i32
    %sign3A_203 = arith.subi %sign3A_199, %sign3A_202 : i32
    %sign3A_204 = arith.constant 0 : i32
    %sign3A_205 = arith.cmpi sgt, %jit3A_195, %sign3A_204 : i32
    %sign3A_206 = arith.extui %sign3A_205 : i1 to i32
    %sign3A_207 = arith.constant 0 : i32
    %sign3A_208 = arith.cmpi slt, %jit3A_195, %sign3A_207 : i32
    %sign3A_209 = arith.extui %sign3A_208 : i1 to i32
    %sign3A_210 = arith.subi %sign3A_206, %sign3A_209 : i32
    %ne3A_211 = arith.cmpi ne, %sign3A_203, %sign3A_210 : i32
    %rem3A_212 = arith.remsi %add3A_194, %jit3A_195 : i32
    %ne3A_213 = arith.constant 0 : i32
    %ne3A_214 = arith.cmpi ne, %rem3A_212, %ne3A_213 : i32
    %and3A_215 = arith.andi %ne3A_211, %ne3A_214 : i1
    %sub3A_216 = arith.constant 1 : i32
    %sub3A_217 = arith.subi %div3A_196, %sub3A_216 : i32
    %select_n3A_218 = arith.select %and3A_215, %sub3A_217, %div3A_196 : i32
    %jit3A_219 = arith.constant 64 : i32
    %eq3A_220 = arith.constant 0 : i32
    %eq3A_221 = arith.cmpi eq, %jit3A_219, %eq3A_220 : i32
    %jit3A_222 = arith.constant 1 : i32
    %select_n3A_223 = arith.select %eq3A_221, %jit3A_222, %jit3A_219 : i32
    %rem3A_224 = arith.remsi %add3A_194, %select_n3A_223 : i32
    %ne3A_225 = arith.constant 0 : i32
    %ne3A_226 = arith.cmpi ne, %rem3A_224, %ne3A_225 : i32
    %lt3A_227 = arith.constant 0 : i32
    %lt3A_228 = arith.cmpi slt, %rem3A_224, %lt3A_227 : i32
    %lt3A_229 = arith.constant 0 : i32
    %lt3A_230 = arith.cmpi slt, %select_n3A_223, %lt3A_229 : i32
    %ne3A_231 = arith.xori %lt3A_228, %lt3A_230 : i1
    %and3A_232 = arith.andi %ne3A_231, %ne3A_226 : i1
    %add3A_233 = arith.addi %rem3A_224, %select_n3A_223 : i32
    %select_n3A_234 = arith.select %and3A_232, %add3A_233, %rem3A_224 : i32
    %mul3A_235 = arith.constant 128 : i32
    %mul3A_236 = arith.muli %select_n3A_234, %mul3A_235 : i32
    %multiple_of3A_237 = tpu.assume_multiple %mul3A_236, 128 : i32
    %dma_start3A_238 = arith.constant 0 : i32
    %dma_start3A_239 = arith.constant 0 : i32
    %dma_start3A_240 = tpu.memref_slice %arg8[%dma_start3A_238, %dma_start3A_239] : memref<384x128xf32, #tpu.memory_space<vmem>> -> memref<128x128xf32, #tpu.memory_space<vmem>>
    %dma_start3A_241 = arith.constant 0 : i32
    %dma_start3A_242 = tpu.memref_slice %arg2[%select_n3A_218, %multiple_of3A_237, %dma_start3A_241] : memref<3x8192x128xf32, #tpu.memory_space<hbm>> -> memref<1x128x128xf32, #tpu.memory_space<hbm>>
    %dma_start3A_243 = tpu.memref_squeeze %dma_start3A_242 : memref<1x128x128xf32, #tpu.memory_space<hbm>> -> memref<128x128xf32, #tpu.memory_space<hbm>>
    %dma_start3A_244 = arith.constant 0 : i32
    %dma_start3A_245 = arith.constant 0 : i32
    %dma_start3A_246 = tpu.memref_slice %arg8[%dma_start3A_244, %dma_start3A_245] : memref<384x128xf32, #tpu.memory_space<vmem>> -> memref<128x128xf32, #tpu.memory_space<vmem>>
    %dma_start3A_247 = arith.constant 0 : i32
    %dma_start3A_248 = tpu.memref_slice %arg2[%select_n3A_218, %multiple_of3A_237, %dma_start3A_247] : memref<3x8192x128xf32, #tpu.memory_space<hbm>> -> memref<1x128x128xf32, #tpu.memory_space<hbm>>
    %dma_start3A_249 = tpu.memref_squeeze %dma_start3A_248 : memref<1x128x128xf32, #tpu.memory_space<hbm>> -> memref<128x128xf32, #tpu.memory_space<hbm>>
    tpu.enqueue_dma source(%dma_start3A_249 : memref<128x128xf32, #tpu.memory_space<hbm>>) target(%dma_start3A_246 : memref<128x128xf32, #tpu.memory_space<vmem>>) target_semaphore(%arg12 : memref<!tpu.dma_semaphore, #tpu.memory_space<semaphore_mem>>)
    %mul3A_250 = arith.constant 16 : i32
    %mul3A_251 = arith.muli %arg0, %mul3A_250 : i32
    %add3A_252 = arith.addi %mul3A_251, %arg1 : i32
    %mul3A_253 = arith.constant 6 : i32
    %mul3A_254 = arith.muli %add3A_252, %mul3A_253 : i32
    %add3A_255 = arith.constant 3 : i32
    %add3A_256 = arith.addi %mul3A_254, %add3A_255 : i32
    %add3A_257 = arith.constant 1 : i32
    %add3A_258 = arith.addi %add3A_256, %add3A_257 : i32
    %jit3A_259 = arith.constant 64 : i32
    %div3A_260 = arith.divsi %add3A_258, %jit3A_259 : i32
    %sign3A_261 = arith.constant 0 : i32
    %sign3A_262 = arith.cmpi sgt, %add3A_258, %sign3A_261 : i32
    %sign3A_263 = arith.extui %sign3A_262 : i1 to i32
    %sign3A_264 = arith.constant 0 : i32
    %sign3A_265 = arith.cmpi slt, %add3A_258, %sign3A_264 : i32
    %sign3A_266 = arith.extui %sign3A_265 : i1 to i32
    %sign3A_267 = arith.subi %sign3A_263, %sign3A_266 : i32
    %sign3A_268 = arith.constant 0 : i32
    %sign3A_269 = arith.cmpi sgt, %jit3A_259, %sign3A_268 : i32
    %sign3A_270 = arith.extui %sign3A_269 : i1 to i32
    %sign3A_271 = arith.constant 0 : i32
    %sign3A_272 = arith.cmpi slt, %jit3A_259, %sign3A_271 : i32
    %sign3A_273 = arith.extui %sign3A_272 : i1 to i32
    %sign3A_274 = arith.subi %sign3A_270, %sign3A_273 : i32
    %ne3A_275 = arith.cmpi ne, %sign3A_267, %sign3A_274 : i32
    %rem3A_276 = arith.remsi %add3A_258, %jit3A_259 : i32
    %ne3A_277 = arith.constant 0 : i32
    %ne3A_278 = arith.cmpi ne, %rem3A_276, %ne3A_277 : i32
    %and3A_279 = arith.andi %ne3A_275, %ne3A_278 : i1
    %sub3A_280 = arith.constant 1 : i32
    %sub3A_281 = arith.subi %div3A_260, %sub3A_280 : i32
    %select_n3A_282 = arith.select %and3A_279, %sub3A_281, %div3A_260 : i32
    %jit3A_283 = arith.constant 64 : i32
    %eq3A_284 = arith.constant 0 : i32
    %eq3A_285 = arith.cmpi eq, %jit3A_283, %eq3A_284 : i32
    %jit3A_286 = arith.constant 1 : i32
    %select_n3A_287 = arith.select %eq3A_285, %jit3A_286, %jit3A_283 : i32
    %rem3A_288 = arith.remsi %add3A_258, %select_n3A_287 : i32
    %ne3A_289 = arith.constant 0 : i32
    %ne3A_290 = arith.cmpi ne, %rem3A_288, %ne3A_289 : i32
    %lt3A_291 = arith.constant 0 : i32
    %lt3A_292 = arith.cmpi slt, %rem3A_288, %lt3A_291 : i32
    %lt3A_293 = arith.constant 0 : i32
    %lt3A_294 = arith.cmpi slt, %select_n3A_287, %lt3A_293 : i32
    %ne3A_295 = arith.xori %lt3A_292, %lt3A_294 : i1
    %and3A_296 = arith.andi %ne3A_295, %ne3A_290 : i1
    %add3A_297 = arith.addi %rem3A_288, %select_n3A_287 : i32
    %select_n3A_298 = arith.select %and3A_296, %add3A_297, %rem3A_288 : i32
    %mul3A_299 = arith.constant 128 : i32
    %mul3A_300 = arith.muli %select_n3A_298, %mul3A_299 : i32
    %multiple_of3A_301 = tpu.assume_multiple %mul3A_300, 128 : i32
    %dma_start3A_302 = arith.constant 128 : i32
    %dma_start3A_303 = arith.constant 0 : i32
    %dma_start3A_304 = tpu.memref_slice %arg8[%dma_start3A_302, %dma_start3A_303] : memref<384x128xf32, #tpu.memory_space<vmem>> -> memref<128x128xf32, #tpu.memory_space<vmem>>
    %dma_start3A_305 = arith.constant 0 : i32
    %dma_start3A_306 = tpu.memref_slice %arg2[%select_n3A_282, %multiple_of3A_301, %dma_start3A_305] : memref<3x8192x128xf32, #tpu.memory_space<hbm>> -> memref<1x128x128xf32, #tpu.memory_space<hbm>>
    %dma_start3A_307 = tpu.memref_squeeze %dma_start3A_306 : memref<1x128x128xf32, #tpu.memory_space<hbm>> -> memref<128x128xf32, #tpu.memory_space<hbm>>
    %dma_start3A_308 = arith.constant 128 : i32
    %dma_start3A_309 = arith.constant 0 : i32
    %dma_start3A_310 = tpu.memref_slice %arg8[%dma_start3A_308, %dma_start3A_309] : memref<384x128xf32, #tpu.memory_space<vmem>> -> memref<128x128xf32, #tpu.memory_space<vmem>>
    %dma_start3A_311 = arith.constant 0 : i32
    %dma_start3A_312 = tpu.memref_slice %arg2[%select_n3A_282, %multiple_of3A_301, %dma_start3A_311] : memref<3x8192x128xf32, #tpu.memory_space<hbm>> -> memref<1x128x128xf32, #tpu.memory_space<hbm>>
    %dma_start3A_313 = tpu.memref_squeeze %dma_start3A_312 : memref<1x128x128xf32, #tpu.memory_space<hbm>> -> memref<128x128xf32, #tpu.memory_space<hbm>>
    tpu.enqueue_dma source(%dma_start3A_313 : memref<128x128xf32, #tpu.memory_space<hbm>>) target(%dma_start3A_310 : memref<128x128xf32, #tpu.memory_space<vmem>>) target_semaphore(%arg12 : memref<!tpu.dma_semaphore, #tpu.memory_space<semaphore_mem>>)
    %mul3A_314 = arith.constant 16 : i32
    %mul3A_315 = arith.muli %arg0, %mul3A_314 : i32
    %add3A_316 = arith.addi %mul3A_315, %arg1 : i32
    %mul3A_317 = arith.constant 6 : i32
    %mul3A_318 = arith.muli %add3A_316, %mul3A_317 : i32
    %add3A_319 = arith.constant 3 : i32
    %add3A_320 = arith.addi %mul3A_318, %add3A_319 : i32
    %add3A_321 = arith.constant 2 : i32
    %add3A_322 = arith.addi %add3A_320, %add3A_321 : i32
    %jit3A_323 = arith.constant 64 : i32
    %div3A_324 = arith.divsi %add3A_322, %jit3A_323 : i32
    %sign3A_325 = arith.constant 0 : i32
    %sign3A_326 = arith.cmpi sgt, %add3A_322, %sign3A_325 : i32
    %sign3A_327 = arith.extui %sign3A_326 : i1 to i32
    %sign3A_328 = arith.constant 0 : i32
    %sign3A_329 = arith.cmpi slt, %add3A_322, %sign3A_328 : i32
    %sign3A_330 = arith.extui %sign3A_329 : i1 to i32
    %sign3A_331 = arith.subi %sign3A_327, %sign3A_330 : i32
    %sign3A_332 = arith.constant 0 : i32
    %sign3A_333 = arith.cmpi sgt, %jit3A_323, %sign3A_332 : i32
    %sign3A_334 = arith.extui %sign3A_333 : i1 to i32
    %sign3A_335 = arith.constant 0 : i32
    %sign3A_336 = arith.cmpi slt, %jit3A_323, %sign3A_335 : i32
    %sign3A_337 = arith.extui %sign3A_336 : i1 to i32
    %sign3A_338 = arith.subi %sign3A_334, %sign3A_337 : i32
    %ne3A_339 = arith.cmpi ne, %sign3A_331, %sign3A_338 : i32
    %rem3A_340 = arith.remsi %add3A_322, %jit3A_323 : i32
    %ne3A_341 = arith.constant 0 : i32
    %ne3A_342 = arith.cmpi ne, %rem3A_340, %ne3A_341 : i32
    %and3A_343 = arith.andi %ne3A_339, %ne3A_342 : i1
    %sub3A_344 = arith.constant 1 : i32
    %sub3A_345 = arith.subi %div3A_324, %sub3A_344 : i32
    %select_n3A_346 = arith.select %and3A_343, %sub3A_345, %div3A_324 : i32
    %jit3A_347 = arith.constant 64 : i32
    %eq3A_348 = arith.constant 0 : i32
    %eq3A_349 = arith.cmpi eq, %jit3A_347, %eq3A_348 : i32
    %jit3A_350 = arith.constant 1 : i32
    %select_n3A_351 = arith.select %eq3A_349, %jit3A_350, %jit3A_347 : i32
    %rem3A_352 = arith.remsi %add3A_322, %select_n3A_351 : i32
    %ne3A_353 = arith.constant 0 : i32
    %ne3A_354 = arith.cmpi ne, %rem3A_352, %ne3A_353 : i32
    %lt3A_355 = arith.constant 0 : i32
    %lt3A_356 = arith.cmpi slt, %rem3A_352, %lt3A_355 : i32
    %lt3A_357 = arith.constant 0 : i32
    %lt3A_358 = arith.cmpi slt, %select_n3A_351, %lt3A_357 : i32
    %ne3A_359 = arith.xori %lt3A_356, %lt3A_358 : i1
    %and3A_360 = arith.andi %ne3A_359, %ne3A_354 : i1
    %add3A_361 = arith.addi %rem3A_352, %select_n3A_351 : i32
    %select_n3A_362 = arith.select %and3A_360, %add3A_361, %rem3A_352 : i32
    %mul3A_363 = arith.constant 128 : i32
    %mul3A_364 = arith.muli %select_n3A_362, %mul3A_363 : i32
    %multiple_of3A_365 = tpu.assume_multiple %mul3A_364, 128 : i32
    %dma_start3A_366 = arith.constant 256 : i32
    %dma_start3A_367 = arith.constant 0 : i32
    %dma_start3A_368 = tpu.memref_slice %arg8[%dma_start3A_366, %dma_start3A_367] : memref<384x128xf32, #tpu.memory_space<vmem>> -> memref<128x128xf32, #tpu.memory_space<vmem>>
    %dma_start3A_369 = arith.constant 0 : i32
    %dma_start3A_370 = tpu.memref_slice %arg2[%select_n3A_346, %multiple_of3A_365, %dma_start3A_369] : memref<3x8192x128xf32, #tpu.memory_space<hbm>> -> memref<1x128x128xf32, #tpu.memory_space<hbm>>
    %dma_start3A_371 = tpu.memref_squeeze %dma_start3A_370 : memref<1x128x128xf32, #tpu.memory_space<hbm>> -> memref<128x128xf32, #tpu.memory_space<hbm>>
    %dma_start3A_372 = arith.constant 256 : i32
    %dma_start3A_373 = arith.constant 0 : i32
    %dma_start3A_374 = tpu.memref_slice %arg8[%dma_start3A_372, %dma_start3A_373] : memref<384x128xf32, #tpu.memory_space<vmem>> -> memref<128x128xf32, #tpu.memory_space<vmem>>
    %dma_start3A_375 = arith.constant 0 : i32
    %dma_start3A_376 = tpu.memref_slice %arg2[%select_n3A_346, %multiple_of3A_365, %dma_start3A_375] : memref<3x8192x128xf32, #tpu.memory_space<hbm>> -> memref<1x128x128xf32, #tpu.memory_space<hbm>>
    %dma_start3A_377 = tpu.memref_squeeze %dma_start3A_376 : memref<1x128x128xf32, #tpu.memory_space<hbm>> -> memref<128x128xf32, #tpu.memory_space<hbm>>
    tpu.enqueue_dma source(%dma_start3A_377 : memref<128x128xf32, #tpu.memory_space<hbm>>) target(%dma_start3A_374 : memref<128x128xf32, #tpu.memory_space<vmem>>) target_semaphore(%arg12 : memref<!tpu.dma_semaphore, #tpu.memory_space<semaphore_mem>>)
    %dma_wait3A = arith.constant 0 : i32
    %dma_wait3A_378 = tpu.memref_slice %arg9[%mul3A_2, %dma_wait3A] : memref<2048x128xf32, #tpu.memory_space<vmem_shared>> -> memref<128x128xf32, #tpu.memory_space<vmem_shared>>
    %dma_wait3A_379 = arith.constant 0 : i32
    %dma_wait3A_380 = tpu.memref_slice %arg4[%mul3A_0, %dma_wait3A_379] : memref<2048x128xf32, #tpu.memory_space<hbm>> -> memref<128x128xf32, #tpu.memory_space<hbm>>
    tpu.wait_dma2 semaphore(%arg10 : memref<!tpu.dma_semaphore, #tpu.memory_space<semaphore_mem>>) src(%dma_wait3A_380 : memref<128x128xf32, #tpu.memory_space<hbm>>) dst(%dma_wait3A_378 : memref<128x128xf32, #tpu.memory_space<vmem_shared>>)
    %barrier3A = arith.constant 0 : index
    tpu.barrier barrier_id(%barrier3A)
    %dma_wait3A_381 = arith.constant 0 : i32
    %dma_wait3A_382 = arith.constant 0 : i32
    %dma_wait3A_383 = tpu.memref_slice %arg7[%dma_wait3A_381, %dma_wait3A_382] : memref<384x128xf32, #tpu.memory_space<vmem>> -> memref<128x128xf32, #tpu.memory_space<vmem>>
    %dma_wait3A_384 = arith.constant 0 : i32
    %dma_wait3A_385 = tpu.memref_slice %arg2[%select_n3A, %multiple_of3A, %dma_wait3A_384] : memref<3x8192x128xf32, #tpu.memory_space<hbm>> -> memref<1x128x128xf32, #tpu.memory_space<hbm>>
    %dma_wait3A_386 = tpu.memref_squeeze %dma_wait3A_385 : memref<1x128x128xf32, #tpu.memory_space<hbm>> -> memref<128x128xf32, #tpu.memory_space<hbm>>
    %dma_wait3A_387 = arith.constant 0 : i32
    %dma_wait3A_388 = arith.constant 0 : i32
    %dma_wait3A_389 = tpu.memref_slice %arg7[%dma_wait3A_387, %dma_wait3A_388] : memref<384x128xf32, #tpu.memory_space<vmem>> -> memref<128x128xf32, #tpu.memory_space<vmem>>
    %dma_wait3A_390 = arith.constant 0 : i32
    %dma_wait3A_391 = tpu.memref_slice %arg2[%select_n3A, %multiple_of3A, %dma_wait3A_390] : memref<3x8192x128xf32, #tpu.memory_space<hbm>> -> memref<1x128x128xf32, #tpu.memory_space<hbm>>
    %dma_wait3A_392 = tpu.memref_squeeze %dma_wait3A_391 : memref<1x128x128xf32, #tpu.memory_space<hbm>> -> memref<128x128xf32, #tpu.memory_space<hbm>>
    tpu.wait_dma2 semaphore(%arg11 : memref<!tpu.dma_semaphore, #tpu.memory_space<semaphore_mem>>) src(%dma_wait3A_392 : memref<128x128xf32, #tpu.memory_space<hbm>>) dst(%dma_wait3A_389 : memref<128x128xf32, #tpu.memory_space<vmem>>)
    %dma_wait3A_393 = arith.constant 128 : i32
    %dma_wait3A_394 = arith.constant 0 : i32
    %dma_wait3A_395 = tpu.memref_slice %arg7[%dma_wait3A_393, %dma_wait3A_394] : memref<384x128xf32, #tpu.memory_space<vmem>> -> memref<128x128xf32, #tpu.memory_space<vmem>>
    %dma_wait3A_396 = arith.constant 0 : i32
    %dma_wait3A_397 = tpu.memref_slice %arg2[%select_n3A_90, %multiple_of3A_109, %dma_wait3A_396] : memref<3x8192x128xf32, #tpu.memory_space<hbm>> -> memref<1x128x128xf32, #tpu.memory_space<hbm>>
    %dma_wait3A_398 = tpu.memref_squeeze %dma_wait3A_397 : memref<1x128x128xf32, #tpu.memory_space<hbm>> -> memref<128x128xf32, #tpu.memory_space<hbm>>
    %dma_wait3A_399 = arith.constant 128 : i32
    %dma_wait3A_400 = arith.constant 0 : i32
    %dma_wait3A_401 = tpu.memref_slice %arg7[%dma_wait3A_399, %dma_wait3A_400] : memref<384x128xf32, #tpu.memory_space<vmem>> -> memref<128x128xf32, #tpu.memory_space<vmem>>
    %dma_wait3A_402 = arith.constant 0 : i32
    %dma_wait3A_403 = tpu.memref_slice %arg2[%select_n3A_90, %multiple_of3A_109, %dma_wait3A_402] : memref<3x8192x128xf32, #tpu.memory_space<hbm>> -> memref<1x128x128xf32, #tpu.memory_space<hbm>>
    %dma_wait3A_404 = tpu.memref_squeeze %dma_wait3A_403 : memref<1x128x128xf32, #tpu.memory_space<hbm>> -> memref<128x128xf32, #tpu.memory_space<hbm>>
    tpu.wait_dma2 semaphore(%arg11 : memref<!tpu.dma_semaphore, #tpu.memory_space<semaphore_mem>>) src(%dma_wait3A_404 : memref<128x128xf32, #tpu.memory_space<hbm>>) dst(%dma_wait3A_401 : memref<128x128xf32, #tpu.memory_space<vmem>>)
    %dma_wait3A_405 = arith.constant 256 : i32
    %dma_wait3A_406 = arith.constant 0 : i32
    %dma_wait3A_407 = tpu.memref_slice %arg7[%dma_wait3A_405, %dma_wait3A_406] : memref<384x128xf32, #tpu.memory_space<vmem>> -> memref<128x128xf32, #tpu.memory_space<vmem>>
    %dma_wait3A_408 = arith.constant 0 : i32
    %dma_wait3A_409 = tpu.memref_slice %arg2[%select_n3A_154, %multiple_of3A_173, %dma_wait3A_408] : memref<3x8192x128xf32, #tpu.memory_space<hbm>> -> memref<1x128x128xf32, #tpu.memory_space<hbm>>
    %dma_wait3A_410 = tpu.memref_squeeze %dma_wait3A_409 : memref<1x128x128xf32, #tpu.memory_space<hbm>> -> memref<128x128xf32, #tpu.memory_space<hbm>>
    %dma_wait3A_411 = arith.constant 256 : i32
    %dma_wait3A_412 = arith.constant 0 : i32
    %dma_wait3A_413 = tpu.memref_slice %arg7[%dma_wait3A_411, %dma_wait3A_412] : memref<384x128xf32, #tpu.memory_space<vmem>> -> memref<128x128xf32, #tpu.memory_space<vmem>>
    %dma_wait3A_414 = arith.constant 0 : i32
    %dma_wait3A_415 = tpu.memref_slice %arg2[%select_n3A_154, %multiple_of3A_173, %dma_wait3A_414] : memref<3x8192x128xf32, #tpu.memory_space<hbm>> -> memref<1x128x128xf32, #tpu.memory_space<hbm>>
    %dma_wait3A_416 = tpu.memref_squeeze %dma_wait3A_415 : memref<1x128x128xf32, #tpu.memory_space<hbm>> -> memref<128x128xf32, #tpu.memory_space<hbm>>
    tpu.wait_dma2 semaphore(%arg11 : memref<!tpu.dma_semaphore, #tpu.memory_space<semaphore_mem>>) src(%dma_wait3A_416 : memref<128x128xf32, #tpu.memory_space<hbm>>) dst(%dma_wait3A_413 : memref<128x128xf32, #tpu.memory_space<vmem>>)
    %dma_start3A_417 = arith.constant 0 : i32
    %dma_start3A_418 = arith.constant 0 : i32
    %dma_start3A_419 = arith.constant 0 : i32
    %dma_start3A_420 = tpu.memref_slice %arg7[%dma_start3A_418, %dma_start3A_419] : memref<384x128xf32, #tpu.memory_space<vmem>> -> memref<128x128xf32, #tpu.memory_space<vmem>>
    %dma_start3A_421 = arith.constant 0 : i32
    %dma_start3A_422 = tpu.memref_slice %arg6[%dma_start3A_417, %dma_start3A_421] : memref<6x128xi32, #tpu.memory_space<vmem>> -> memref<1x128xi32, #tpu.memory_space<vmem>>
    %dma_start3A_423 = tpu.memref_squeeze %dma_start3A_422 : memref<1x128xi32, #tpu.memory_space<vmem>> -> memref<128xi32, #tpu.memory_space<vmem>>
    %dma_start3A_424 = arith.constant 0 : i32
    %dma_start3A_425 = arith.constant 0 : i32
    %dma_start3A_426 = tpu.memref_slice %arg9[%dma_start3A_424, %dma_start3A_425] : memref<2048x128xf32, #tpu.memory_space<vmem_shared>> -> memref<2048x128xf32, #tpu.memory_space<vmem_shared>>
    tpu.enqueue_indirect_dma source(%dma_start3A_420 : memref<128x128xf32, #tpu.memory_space<vmem>>) target(%dma_start3A_426 : memref<2048x128xf32, #tpu.memory_space<vmem_shared>>) offsets(%dma_start3A_423 : memref<128xi32, #tpu.memory_space<vmem>>) semaphore(%arg13 : memref<!tpu.dma_semaphore, #tpu.memory_space<semaphore_mem>>) {add = true}
    %dma_start3A_427 = arith.constant 1 : i32
    %dma_start3A_428 = arith.constant 128 : i32
    %dma_start3A_429 = arith.constant 0 : i32
    %dma_start3A_430 = tpu.memref_slice %arg7[%dma_start3A_428, %dma_start3A_429] : memref<384x128xf32, #tpu.memory_space<vmem>> -> memref<128x128xf32, #tpu.memory_space<vmem>>
    %dma_start3A_431 = arith.constant 0 : i32
    %dma_start3A_432 = tpu.memref_slice %arg6[%dma_start3A_427, %dma_start3A_431] : memref<6x128xi32, #tpu.memory_space<vmem>> -> memref<1x128xi32, #tpu.memory_space<vmem>>
    %dma_start3A_433 = tpu.memref_squeeze %dma_start3A_432 : memref<1x128xi32, #tpu.memory_space<vmem>> -> memref<128xi32, #tpu.memory_space<vmem>>
    %dma_start3A_434 = arith.constant 0 : i32
    %dma_start3A_435 = arith.constant 0 : i32
    %dma_start3A_436 = tpu.memref_slice %arg9[%dma_start3A_434, %dma_start3A_435] : memref<2048x128xf32, #tpu.memory_space<vmem_shared>> -> memref<2048x128xf32, #tpu.memory_space<vmem_shared>>
    tpu.enqueue_indirect_dma source(%dma_start3A_430 : memref<128x128xf32, #tpu.memory_space<vmem>>) target(%dma_start3A_436 : memref<2048x128xf32, #tpu.memory_space<vmem_shared>>) offsets(%dma_start3A_433 : memref<128xi32, #tpu.memory_space<vmem>>) semaphore(%arg13 : memref<!tpu.dma_semaphore, #tpu.memory_space<semaphore_mem>>) {add = true}
    %dma_start3A_437 = arith.constant 2 : i32
    %dma_start3A_438 = arith.constant 256 : i32
    %dma_start3A_439 = arith.constant 0 : i32
    %dma_start3A_440 = tpu.memref_slice %arg7[%dma_start3A_438, %dma_start3A_439] : memref<384x128xf32, #tpu.memory_space<vmem>> -> memref<128x128xf32, #tpu.memory_space<vmem>>
    %dma_start3A_441 = arith.constant 0 : i32
    %dma_start3A_442 = tpu.memref_slice %arg6[%dma_start3A_437, %dma_start3A_441] : memref<6x128xi32, #tpu.memory_space<vmem>> -> memref<1x128xi32, #tpu.memory_space<vmem>>
    %dma_start3A_443 = tpu.memref_squeeze %dma_start3A_442 : memref<1x128xi32, #tpu.memory_space<vmem>> -> memref<128xi32, #tpu.memory_space<vmem>>
    %dma_start3A_444 = arith.constant 0 : i32
    %dma_start3A_445 = arith.constant 0 : i32
    %dma_start3A_446 = tpu.memref_slice %arg9[%dma_start3A_444, %dma_start3A_445] : memref<2048x128xf32, #tpu.memory_space<vmem_shared>> -> memref<2048x128xf32, #tpu.memory_space<vmem_shared>>
    tpu.enqueue_indirect_dma source(%dma_start3A_440 : memref<128x128xf32, #tpu.memory_space<vmem>>) target(%dma_start3A_446 : memref<2048x128xf32, #tpu.memory_space<vmem_shared>>) offsets(%dma_start3A_443 : memref<128xi32, #tpu.memory_space<vmem>>) semaphore(%arg13 : memref<!tpu.dma_semaphore, #tpu.memory_space<semaphore_mem>>) {add = true}
    %dma_wait3A_447 = arith.constant 0 : i32
    %dma_wait3A_448 = arith.constant 0 : i32
    %dma_wait3A_449 = tpu.memref_slice %arg8[%dma_wait3A_447, %dma_wait3A_448] : memref<384x128xf32, #tpu.memory_space<vmem>> -> memref<128x128xf32, #tpu.memory_space<vmem>>
    %dma_wait3A_450 = arith.constant 0 : i32
    %dma_wait3A_451 = tpu.memref_slice %arg2[%select_n3A_218, %multiple_of3A_237, %dma_wait3A_450] : memref<3x8192x128xf32, #tpu.memory_space<hbm>> -> memref<1x128x128xf32, #tpu.memory_space<hbm>>
    %dma_wait3A_452 = tpu.memref_squeeze %dma_wait3A_451 : memref<1x128x128xf32, #tpu.memory_space<hbm>> -> memref<128x128xf32, #tpu.memory_space<hbm>>
    %dma_wait3A_453 = arith.constant 0 : i32
    %dma_wait3A_454 = arith.constant 0 : i32
    %dma_wait3A_455 = tpu.memref_slice %arg8[%dma_wait3A_453, %dma_wait3A_454] : memref<384x128xf32, #tpu.memory_space<vmem>> -> memref<128x128xf32, #tpu.memory_space<vmem>>
    %dma_wait3A_456 = arith.constant 0 : i32
    %dma_wait3A_457 = tpu.memref_slice %arg2[%select_n3A_218, %multiple_of3A_237, %dma_wait3A_456] : memref<3x8192x128xf32, #tpu.memory_space<hbm>> -> memref<1x128x128xf32, #tpu.memory_space<hbm>>
    %dma_wait3A_458 = tpu.memref_squeeze %dma_wait3A_457 : memref<1x128x128xf32, #tpu.memory_space<hbm>> -> memref<128x128xf32, #tpu.memory_space<hbm>>
    tpu.wait_dma2 semaphore(%arg12 : memref<!tpu.dma_semaphore, #tpu.memory_space<semaphore_mem>>) src(%dma_wait3A_458 : memref<128x128xf32, #tpu.memory_space<hbm>>) dst(%dma_wait3A_455 : memref<128x128xf32, #tpu.memory_space<vmem>>)
    %dma_wait3A_459 = arith.constant 128 : i32
    %dma_wait3A_460 = arith.constant 0 : i32
    %dma_wait3A_461 = tpu.memref_slice %arg8[%dma_wait3A_459, %dma_wait3A_460] : memref<384x128xf32, #tpu.memory_space<vmem>> -> memref<128x128xf32, #tpu.memory_space<vmem>>
    %dma_wait3A_462 = arith.constant 0 : i32
    %dma_wait3A_463 = tpu.memref_slice %arg2[%select_n3A_282, %multiple_of3A_301, %dma_wait3A_462] : memref<3x8192x128xf32, #tpu.memory_space<hbm>> -> memref<1x128x128xf32, #tpu.memory_space<hbm>>
    %dma_wait3A_464 = tpu.memref_squeeze %dma_wait3A_463 : memref<1x128x128xf32, #tpu.memory_space<hbm>> -> memref<128x128xf32, #tpu.memory_space<hbm>>
    %dma_wait3A_465 = arith.constant 128 : i32
    %dma_wait3A_466 = arith.constant 0 : i32
    %dma_wait3A_467 = tpu.memref_slice %arg8[%dma_wait3A_465, %dma_wait3A_466] : memref<384x128xf32, #tpu.memory_space<vmem>> -> memref<128x128xf32, #tpu.memory_space<vmem>>
    %dma_wait3A_468 = arith.constant 0 : i32
    %dma_wait3A_469 = tpu.memref_slice %arg2[%select_n3A_282, %multiple_of3A_301, %dma_wait3A_468] : memref<3x8192x128xf32, #tpu.memory_space<hbm>> -> memref<1x128x128xf32, #tpu.memory_space<hbm>>
    %dma_wait3A_470 = tpu.memref_squeeze %dma_wait3A_469 : memref<1x128x128xf32, #tpu.memory_space<hbm>> -> memref<128x128xf32, #tpu.memory_space<hbm>>
    tpu.wait_dma2 semaphore(%arg12 : memref<!tpu.dma_semaphore, #tpu.memory_space<semaphore_mem>>) src(%dma_wait3A_470 : memref<128x128xf32, #tpu.memory_space<hbm>>) dst(%dma_wait3A_467 : memref<128x128xf32, #tpu.memory_space<vmem>>)
    %dma_wait3A_471 = arith.constant 256 : i32
    %dma_wait3A_472 = arith.constant 0 : i32
    %dma_wait3A_473 = tpu.memref_slice %arg8[%dma_wait3A_471, %dma_wait3A_472] : memref<384x128xf32, #tpu.memory_space<vmem>> -> memref<128x128xf32, #tpu.memory_space<vmem>>
    %dma_wait3A_474 = arith.constant 0 : i32
    %dma_wait3A_475 = tpu.memref_slice %arg2[%select_n3A_346, %multiple_of3A_365, %dma_wait3A_474] : memref<3x8192x128xf32, #tpu.memory_space<hbm>> -> memref<1x128x128xf32, #tpu.memory_space<hbm>>
    %dma_wait3A_476 = tpu.memref_squeeze %dma_wait3A_475 : memref<1x128x128xf32, #tpu.memory_space<hbm>> -> memref<128x128xf32, #tpu.memory_space<hbm>>
    %dma_wait3A_477 = arith.constant 256 : i32
    %dma_wait3A_478 = arith.constant 0 : i32
    %dma_wait3A_479 = tpu.memref_slice %arg8[%dma_wait3A_477, %dma_wait3A_478] : memref<384x128xf32, #tpu.memory_space<vmem>> -> memref<128x128xf32, #tpu.memory_space<vmem>>
    %dma_wait3A_480 = arith.constant 0 : i32
    %dma_wait3A_481 = tpu.memref_slice %arg2[%select_n3A_346, %multiple_of3A_365, %dma_wait3A_480] : memref<3x8192x128xf32, #tpu.memory_space<hbm>> -> memref<1x128x128xf32, #tpu.memory_space<hbm>>
    %dma_wait3A_482 = tpu.memref_squeeze %dma_wait3A_481 : memref<1x128x128xf32, #tpu.memory_space<hbm>> -> memref<128x128xf32, #tpu.memory_space<hbm>>
    tpu.wait_dma2 semaphore(%arg12 : memref<!tpu.dma_semaphore, #tpu.memory_space<semaphore_mem>>) src(%dma_wait3A_482 : memref<128x128xf32, #tpu.memory_space<hbm>>) dst(%dma_wait3A_479 : memref<128x128xf32, #tpu.memory_space<vmem>>)
    %dma_start3A_483 = arith.constant 3 : i32
    %dma_start3A_484 = arith.constant 0 : i32
    %dma_start3A_485 = arith.constant 0 : i32
    %dma_start3A_486 = tpu.memref_slice %arg8[%dma_start3A_484, %dma_start3A_485] : memref<384x128xf32, #tpu.memory_space<vmem>> -> memref<128x128xf32, #tpu.memory_space<vmem>>
    %dma_start3A_487 = arith.constant 0 : i32
    %dma_start3A_488 = tpu.memref_slice %arg6[%dma_start3A_483, %dma_start3A_487] : memref<6x128xi32, #tpu.memory_space<vmem>> -> memref<1x128xi32, #tpu.memory_space<vmem>>
    %dma_start3A_489 = tpu.memref_squeeze %dma_start3A_488 : memref<1x128xi32, #tpu.memory_space<vmem>> -> memref<128xi32, #tpu.memory_space<vmem>>
    %dma_start3A_490 = arith.constant 0 : i32
    %dma_start3A_491 = arith.constant 0 : i32
    %dma_start3A_492 = tpu.memref_slice %arg9[%dma_start3A_490, %dma_start3A_491] : memref<2048x128xf32, #tpu.memory_space<vmem_shared>> -> memref<2048x128xf32, #tpu.memory_space<vmem_shared>>
    tpu.enqueue_indirect_dma source(%dma_start3A_486 : memref<128x128xf32, #tpu.memory_space<vmem>>) target(%dma_start3A_492 : memref<2048x128xf32, #tpu.memory_space<vmem_shared>>) offsets(%dma_start3A_489 : memref<128xi32, #tpu.memory_space<vmem>>) semaphore(%arg14 : memref<!tpu.dma_semaphore, #tpu.memory_space<semaphore_mem>>) {add = true}
    %dma_start3A_493 = arith.constant 4 : i32
    %dma_start3A_494 = arith.constant 128 : i32
    %dma_start3A_495 = arith.constant 0 : i32
    %dma_start3A_496 = tpu.memref_slice %arg8[%dma_start3A_494, %dma_start3A_495] : memref<384x128xf32, #tpu.memory_space<vmem>> -> memref<128x128xf32, #tpu.memory_space<vmem>>
    %dma_start3A_497 = arith.constant 0 : i32
    %dma_start3A_498 = tpu.memref_slice %arg6[%dma_start3A_493, %dma_start3A_497] : memref<6x128xi32, #tpu.memory_space<vmem>> -> memref<1x128xi32, #tpu.memory_space<vmem>>
    %dma_start3A_499 = tpu.memref_squeeze %dma_start3A_498 : memref<1x128xi32, #tpu.memory_space<vmem>> -> memref<128xi32, #tpu.memory_space<vmem>>
    %dma_start3A_500 = arith.constant 0 : i32
    %dma_start3A_501 = arith.constant 0 : i32
    %dma_start3A_502 = tpu.memref_slice %arg9[%dma_start3A_500, %dma_start3A_501] : memref<2048x128xf32, #tpu.memory_space<vmem_shared>> -> memref<2048x128xf32, #tpu.memory_space<vmem_shared>>
    tpu.enqueue_indirect_dma source(%dma_start3A_496 : memref<128x128xf32, #tpu.memory_space<vmem>>) target(%dma_start3A_502 : memref<2048x128xf32, #tpu.memory_space<vmem_shared>>) offsets(%dma_start3A_499 : memref<128xi32, #tpu.memory_space<vmem>>) semaphore(%arg14 : memref<!tpu.dma_semaphore, #tpu.memory_space<semaphore_mem>>) {add = true}
    %dma_start3A_503 = arith.constant 5 : i32
    %dma_start3A_504 = arith.constant 256 : i32
    %dma_start3A_505 = arith.constant 0 : i32
    %dma_start3A_506 = tpu.memref_slice %arg8[%dma_start3A_504, %dma_start3A_505] : memref<384x128xf32, #tpu.memory_space<vmem>> -> memref<128x128xf32, #tpu.memory_space<vmem>>
    %dma_start3A_507 = arith.constant 0 : i32
    %dma_start3A_508 = tpu.memref_slice %arg6[%dma_start3A_503, %dma_start3A_507] : memref<6x128xi32, #tpu.memory_space<vmem>> -> memref<1x128xi32, #tpu.memory_space<vmem>>
    %dma_start3A_509 = tpu.memref_squeeze %dma_start3A_508 : memref<1x128xi32, #tpu.memory_space<vmem>> -> memref<128xi32, #tpu.memory_space<vmem>>
    %dma_start3A_510 = arith.constant 0 : i32
    %dma_start3A_511 = arith.constant 0 : i32
    %dma_start3A_512 = tpu.memref_slice %arg9[%dma_start3A_510, %dma_start3A_511] : memref<2048x128xf32, #tpu.memory_space<vmem_shared>> -> memref<2048x128xf32, #tpu.memory_space<vmem_shared>>
    tpu.enqueue_indirect_dma source(%dma_start3A_506 : memref<128x128xf32, #tpu.memory_space<vmem>>) target(%dma_start3A_512 : memref<2048x128xf32, #tpu.memory_space<vmem_shared>>) offsets(%dma_start3A_509 : memref<128xi32, #tpu.memory_space<vmem>>) semaphore(%arg14 : memref<!tpu.dma_semaphore, #tpu.memory_space<semaphore_mem>>) {add = true}
    %dma_wait3A_513 = arith.constant 0 : i32
    %dma_wait3A_514 = arith.constant 0 : i32
    %dma_wait3A_515 = arith.constant 0 : i32
    %dma_wait3A_516 = tpu.memref_slice %arg7[%dma_wait3A_514, %dma_wait3A_515] : memref<384x128xf32, #tpu.memory_space<vmem>> -> memref<128x128xf32, #tpu.memory_space<vmem>>
    %dma_wait3A_517 = arith.constant 0 : i32
    %dma_wait3A_518 = tpu.memref_slice %arg6[%dma_wait3A_513, %dma_wait3A_517] : memref<6x128xi32, #tpu.memory_space<vmem>> -> memref<1x128xi32, #tpu.memory_space<vmem>>
    %dma_wait3A_519 = tpu.memref_squeeze %dma_wait3A_518 : memref<1x128xi32, #tpu.memory_space<vmem>> -> memref<128xi32, #tpu.memory_space<vmem>>
    %dma_wait3A_520 = arith.constant 0 : i32
    %dma_wait3A_521 = arith.constant 0 : i32
    %dma_wait3A_522 = tpu.memref_slice %arg9[%dma_wait3A_520, %dma_wait3A_521] : memref<2048x128xf32, #tpu.memory_space<vmem_shared>> -> memref<2048x128xf32, #tpu.memory_space<vmem_shared>>
    tpu.wait_indirect_dma semaphore(%arg13 : memref<!tpu.dma_semaphore, #tpu.memory_space<semaphore_mem>>) src(%dma_wait3A_516 : memref<128x128xf32, #tpu.memory_space<vmem>>) dst(%dma_wait3A_522 : memref<2048x128xf32, #tpu.memory_space<vmem_shared>>)
    %dma_wait3A_523 = arith.constant 1 : i32
    %dma_wait3A_524 = arith.constant 128 : i32
    %dma_wait3A_525 = arith.constant 0 : i32
    %dma_wait3A_526 = tpu.memref_slice %arg7[%dma_wait3A_524, %dma_wait3A_525] : memref<384x128xf32, #tpu.memory_space<vmem>> -> memref<128x128xf32, #tpu.memory_space<vmem>>
    %dma_wait3A_527 = arith.constant 0 : i32
    %dma_wait3A_528 = tpu.memref_slice %arg6[%dma_wait3A_523, %dma_wait3A_527] : memref<6x128xi32, #tpu.memory_space<vmem>> -> memref<1x128xi32, #tpu.memory_space<vmem>>
    %dma_wait3A_529 = tpu.memref_squeeze %dma_wait3A_528 : memref<1x128xi32, #tpu.memory_space<vmem>> -> memref<128xi32, #tpu.memory_space<vmem>>
    %dma_wait3A_530 = arith.constant 0 : i32
    %dma_wait3A_531 = arith.constant 0 : i32
    %dma_wait3A_532 = tpu.memref_slice %arg9[%dma_wait3A_530, %dma_wait3A_531] : memref<2048x128xf32, #tpu.memory_space<vmem_shared>> -> memref<2048x128xf32, #tpu.memory_space<vmem_shared>>
    tpu.wait_indirect_dma semaphore(%arg13 : memref<!tpu.dma_semaphore, #tpu.memory_space<semaphore_mem>>) src(%dma_wait3A_526 : memref<128x128xf32, #tpu.memory_space<vmem>>) dst(%dma_wait3A_532 : memref<2048x128xf32, #tpu.memory_space<vmem_shared>>)
    %dma_wait3A_533 = arith.constant 2 : i32
    %dma_wait3A_534 = arith.constant 256 : i32
    %dma_wait3A_535 = arith.constant 0 : i32
    %dma_wait3A_536 = tpu.memref_slice %arg7[%dma_wait3A_534, %dma_wait3A_535] : memref<384x128xf32, #tpu.memory_space<vmem>> -> memref<128x128xf32, #tpu.memory_space<vmem>>
    %dma_wait3A_537 = arith.constant 0 : i32
    %dma_wait3A_538 = tpu.memref_slice %arg6[%dma_wait3A_533, %dma_wait3A_537] : memref<6x128xi32, #tpu.memory_space<vmem>> -> memref<1x128xi32, #tpu.memory_space<vmem>>
    %dma_wait3A_539 = tpu.memref_squeeze %dma_wait3A_538 : memref<1x128xi32, #tpu.memory_space<vmem>> -> memref<128xi32, #tpu.memory_space<vmem>>
    %dma_wait3A_540 = arith.constant 0 : i32
    %dma_wait3A_541 = arith.constant 0 : i32
    %dma_wait3A_542 = tpu.memref_slice %arg9[%dma_wait3A_540, %dma_wait3A_541] : memref<2048x128xf32, #tpu.memory_space<vmem_shared>> -> memref<2048x128xf32, #tpu.memory_space<vmem_shared>>
    tpu.wait_indirect_dma semaphore(%arg13 : memref<!tpu.dma_semaphore, #tpu.memory_space<semaphore_mem>>) src(%dma_wait3A_536 : memref<128x128xf32, #tpu.memory_space<vmem>>) dst(%dma_wait3A_542 : memref<2048x128xf32, #tpu.memory_space<vmem_shared>>)
    %dma_wait3A_543 = arith.constant 3 : i32
    %dma_wait3A_544 = arith.constant 0 : i32
    %dma_wait3A_545 = arith.constant 0 : i32
    %dma_wait3A_546 = tpu.memref_slice %arg8[%dma_wait3A_544, %dma_wait3A_545] : memref<384x128xf32, #tpu.memory_space<vmem>> -> memref<128x128xf32, #tpu.memory_space<vmem>>
    %dma_wait3A_547 = arith.constant 0 : i32
    %dma_wait3A_548 = tpu.memref_slice %arg6[%dma_wait3A_543, %dma_wait3A_547] : memref<6x128xi32, #tpu.memory_space<vmem>> -> memref<1x128xi32, #tpu.memory_space<vmem>>
    %dma_wait3A_549 = tpu.memref_squeeze %dma_wait3A_548 : memref<1x128xi32, #tpu.memory_space<vmem>> -> memref<128xi32, #tpu.memory_space<vmem>>
    %dma_wait3A_550 = arith.constant 0 : i32
    %dma_wait3A_551 = arith.constant 0 : i32
    %dma_wait3A_552 = tpu.memref_slice %arg9[%dma_wait3A_550, %dma_wait3A_551] : memref<2048x128xf32, #tpu.memory_space<vmem_shared>> -> memref<2048x128xf32, #tpu.memory_space<vmem_shared>>
    tpu.wait_indirect_dma semaphore(%arg14 : memref<!tpu.dma_semaphore, #tpu.memory_space<semaphore_mem>>) src(%dma_wait3A_546 : memref<128x128xf32, #tpu.memory_space<vmem>>) dst(%dma_wait3A_552 : memref<2048x128xf32, #tpu.memory_space<vmem_shared>>)
    %dma_wait3A_553 = arith.constant 4 : i32
    %dma_wait3A_554 = arith.constant 128 : i32
    %dma_wait3A_555 = arith.constant 0 : i32
    %dma_wait3A_556 = tpu.memref_slice %arg8[%dma_wait3A_554, %dma_wait3A_555] : memref<384x128xf32, #tpu.memory_space<vmem>> -> memref<128x128xf32, #tpu.memory_space<vmem>>
    %dma_wait3A_557 = arith.constant 0 : i32
    %dma_wait3A_558 = tpu.memref_slice %arg6[%dma_wait3A_553, %dma_wait3A_557] : memref<6x128xi32, #tpu.memory_space<vmem>> -> memref<1x128xi32, #tpu.memory_space<vmem>>
    %dma_wait3A_559 = tpu.memref_squeeze %dma_wait3A_558 : memref<1x128xi32, #tpu.memory_space<vmem>> -> memref<128xi32, #tpu.memory_space<vmem>>
    %dma_wait3A_560 = arith.constant 0 : i32
    %dma_wait3A_561 = arith.constant 0 : i32
    %dma_wait3A_562 = tpu.memref_slice %arg9[%dma_wait3A_560, %dma_wait3A_561] : memref<2048x128xf32, #tpu.memory_space<vmem_shared>> -> memref<2048x128xf32, #tpu.memory_space<vmem_shared>>
    tpu.wait_indirect_dma semaphore(%arg14 : memref<!tpu.dma_semaphore, #tpu.memory_space<semaphore_mem>>) src(%dma_wait3A_556 : memref<128x128xf32, #tpu.memory_space<vmem>>) dst(%dma_wait3A_562 : memref<2048x128xf32, #tpu.memory_space<vmem_shared>>)
    %dma_wait3A_563 = arith.constant 5 : i32
    %dma_wait3A_564 = arith.constant 256 : i32
    %dma_wait3A_565 = arith.constant 0 : i32
    %dma_wait3A_566 = tpu.memref_slice %arg8[%dma_wait3A_564, %dma_wait3A_565] : memref<384x128xf32, #tpu.memory_space<vmem>> -> memref<128x128xf32, #tpu.memory_space<vmem>>
    %dma_wait3A_567 = arith.constant 0 : i32
    %dma_wait3A_568 = tpu.memref_slice %arg6[%dma_wait3A_563, %dma_wait3A_567] : memref<6x128xi32, #tpu.memory_space<vmem>> -> memref<1x128xi32, #tpu.memory_space<vmem>>
    %dma_wait3A_569 = tpu.memref_squeeze %dma_wait3A_568 : memref<1x128xi32, #tpu.memory_space<vmem>> -> memref<128xi32, #tpu.memory_space<vmem>>
    %dma_wait3A_570 = arith.constant 0 : i32
    %dma_wait3A_571 = arith.constant 0 : i32
    %dma_wait3A_572 = tpu.memref_slice %arg9[%dma_wait3A_570, %dma_wait3A_571] : memref<2048x128xf32, #tpu.memory_space<vmem_shared>> -> memref<2048x128xf32, #tpu.memory_space<vmem_shared>>
    tpu.wait_indirect_dma semaphore(%arg14 : memref<!tpu.dma_semaphore, #tpu.memory_space<semaphore_mem>>) src(%dma_wait3A_566 : memref<128x128xf32, #tpu.memory_space<vmem>>) dst(%dma_wait3A_572 : memref<2048x128xf32, #tpu.memory_space<vmem_shared>>)
    %barrier3A_573 = arith.constant 0 : index
    tpu.barrier barrier_id(%barrier3A_573)
    %mul3A_574 = arith.constant 128 : i32
    %mul3A_575 = arith.muli %arg1, %mul3A_574 : i32
    "tpu.region"() ({
      %run_scoped3A = tpu.sem_alloc : memref<!tpu.dma_semaphore, #tpu.memory_space<semaphore_mem>>
      %dma_start3A_576 = arith.constant 0 : i32
      %dma_start3A_577 = tpu.memref_slice %arg5[%arg0, %mul3A_575, %dma_start3A_576] : memref<2x2048x128xf32, #tpu.memory_space<hbm>> -> memref<1x128x128xf32, #tpu.memory_space<hbm>>
      %dma_start3A_578 = tpu.memref_squeeze %dma_start3A_577 : memref<1x128x128xf32, #tpu.memory_space<hbm>> -> memref<128x128xf32, #tpu.memory_space<hbm>>
      %dma_start3A_579 = arith.constant 0 : i32
      %dma_start3A_580 = tpu.memref_slice %arg9[%mul3A_575, %dma_start3A_579] : memref<2048x128xf32, #tpu.memory_space<vmem_shared>> -> memref<128x128xf32, #tpu.memory_space<vmem_shared>>
      tpu.enqueue_dma source(%dma_start3A_580 : memref<128x128xf32, #tpu.memory_space<vmem_shared>>) target(%dma_start3A_578 : memref<128x128xf32, #tpu.memory_space<hbm>>) target_semaphore(%run_scoped3A : memref<!tpu.dma_semaphore, #tpu.memory_space<semaphore_mem>>)
      %dma_wait3A_581 = arith.constant 0 : i32
      %dma_wait3A_582 = tpu.memref_slice %arg5[%arg0, %mul3A_575, %dma_wait3A_581] : memref<2x2048x128xf32, #tpu.memory_space<hbm>> -> memref<1x128x128xf32, #tpu.memory_space<hbm>>
      %dma_wait3A_583 = tpu.memref_squeeze %dma_wait3A_582 : memref<1x128x128xf32, #tpu.memory_space<hbm>> -> memref<128x128xf32, #tpu.memory_space<hbm>>
      %dma_wait3A_584 = arith.constant 0 : i32
      %dma_wait3A_585 = tpu.memref_slice %arg9[%mul3A_575, %dma_wait3A_584] : memref<2048x128xf32, #tpu.memory_space<vmem_shared>> -> memref<128x128xf32, #tpu.memory_space<vmem_shared>>
      tpu.wait_dma2 semaphore(%run_scoped3A : memref<!tpu.dma_semaphore, #tpu.memory_space<semaphore_mem>>) src(%dma_wait3A_585 : memref<128x128xf32, #tpu.memory_space<vmem_shared>>) dst(%dma_wait3A_583 : memref<128x128xf32, #tpu.memory_space<hbm>>)
      tpu.yield
    }) : () -> ()
    return
  }
}

#map = affine_map<(d0, d1) -> (0, 0)>
#map1 = affine_map<(d0, d1) -> (0, 0, 0)>
module attributes {stable_mosaic.version = 14 : i64} {
  func.func @gk(%arg0: i32, %arg1: i32, %arg2: memref<8192x128xf32, #tpu.memory_space<hbm>>, %arg3: memref<32x6x128xi32, #tpu.memory_space<hbm>>, %arg4: memref<3x8192x128xf32, #tpu.memory_space<hbm>>, %arg5: memref<6x128xi32, #tpu.memory_space<vmem>>, %arg6: memref<768x128xf32, #tpu.memory_space<vmem>>, %arg7: memref<!tpu.dma_semaphore, #tpu.memory_space<semaphore_mem>>, %arg8: memref<!tpu.dma_semaphore, #tpu.memory_space<semaphore_mem>>, %arg9: memref<!tpu.dma_semaphore, #tpu.memory_space<semaphore_mem>>, %arg10: memref<!tpu.dma_semaphore, #tpu.memory_space<semaphore_mem>>, %arg11: memref<!tpu.dma_semaphore, #tpu.memory_space<semaphore_mem>>, %arg12: memref<!tpu.dma_semaphore, #tpu.memory_space<semaphore_mem>>, %arg13: memref<!tpu.dma_semaphore, #tpu.memory_space<semaphore_mem>>) attributes {dimension_semantics = [#tpu.dimension_semantics<core_parallel>, #tpu.dimension_semantics<subcore_parallel>], iteration_bounds = array<i64: 2, 16>, scalar_prefetch = 0 : i64, scratch_operands = 9 : i64, tpu.core_type = #tpu.core_type<sc_vector_subcore>, window_params = [{transform_indices = #map}, {transform_indices = #map1}, {transform_indices = #map1}]} {
    %mul3A = arith.constant 2 : i32
    %mul3A_0 = arith.muli %arg1, %mul3A : i32
    %add3A = arith.addi %mul3A_0, %arg0 : i32
    "tpu.region"() ({
      %run_scoped3A = tpu.sem_alloc : memref<!tpu.dma_semaphore, #tpu.memory_space<semaphore_mem>>
      %dma_start3A_534 = arith.constant 0 : i32
      %dma_start3A_535 = arith.constant 0 : i32
      %dma_start3A_536 = tpu.memref_slice %arg3[%add3A, %dma_start3A_534, %dma_start3A_535] : memref<32x6x128xi32, #tpu.memory_space<hbm>> -> memref<1x6x128xi32, #tpu.memory_space<hbm>>
      %dma_start3A_537 = tpu.memref_squeeze %dma_start3A_536 : memref<1x6x128xi32, #tpu.memory_space<hbm>> -> memref<6x128xi32, #tpu.memory_space<hbm>>
      %dma_start3A_538 = arith.constant 0 : i32
      %dma_start3A_539 = arith.constant 0 : i32
      %dma_start3A_540 = tpu.memref_slice %arg3[%add3A, %dma_start3A_538, %dma_start3A_539] : memref<32x6x128xi32, #tpu.memory_space<hbm>> -> memref<1x6x128xi32, #tpu.memory_space<hbm>>
      %dma_start3A_541 = tpu.memref_squeeze %dma_start3A_540 : memref<1x6x128xi32, #tpu.memory_space<hbm>> -> memref<6x128xi32, #tpu.memory_space<hbm>>
      tpu.enqueue_dma source(%dma_start3A_541 : memref<6x128xi32, #tpu.memory_space<hbm>>) target(%arg5 : memref<6x128xi32, #tpu.memory_space<vmem>>) target_semaphore(%run_scoped3A : memref<!tpu.dma_semaphore, #tpu.memory_space<semaphore_mem>>)
      %dma_wait3A_542 = arith.constant 0 : i32
      %dma_wait3A_543 = arith.constant 0 : i32
      %dma_wait3A_544 = tpu.memref_slice %arg3[%add3A, %dma_wait3A_542, %dma_wait3A_543] : memref<32x6x128xi32, #tpu.memory_space<hbm>> -> memref<1x6x128xi32, #tpu.memory_space<hbm>>
      %dma_wait3A_545 = tpu.memref_squeeze %dma_wait3A_544 : memref<1x6x128xi32, #tpu.memory_space<hbm>> -> memref<6x128xi32, #tpu.memory_space<hbm>>
      %dma_wait3A_546 = arith.constant 0 : i32
      %dma_wait3A_547 = arith.constant 0 : i32
      %dma_wait3A_548 = tpu.memref_slice %arg3[%add3A, %dma_wait3A_546, %dma_wait3A_547] : memref<32x6x128xi32, #tpu.memory_space<hbm>> -> memref<1x6x128xi32, #tpu.memory_space<hbm>>
      %dma_wait3A_549 = tpu.memref_squeeze %dma_wait3A_548 : memref<1x6x128xi32, #tpu.memory_space<hbm>> -> memref<6x128xi32, #tpu.memory_space<hbm>>
      tpu.wait_dma2 semaphore(%run_scoped3A : memref<!tpu.dma_semaphore, #tpu.memory_space<semaphore_mem>>) src(%dma_wait3A_549 : memref<6x128xi32, #tpu.memory_space<hbm>>) dst(%arg5 : memref<6x128xi32, #tpu.memory_space<vmem>>)
      tpu.yield
    }) : () -> ()
    %dma_start3A = arith.constant 0 : i32
    %dma_start3A_1 = arith.constant 0 : i32
    %dma_start3A_2 = arith.constant 0 : i32
    %dma_start3A_3 = tpu.memref_slice %arg6[%dma_start3A_1, %dma_start3A_2] : memref<768x128xf32, #tpu.memory_space<vmem>> -> memref<128x128xf32, #tpu.memory_space<vmem>>
    %dma_start3A_4 = arith.constant 0 : i32
    %dma_start3A_5 = tpu.memref_slice %arg5[%dma_start3A, %dma_start3A_4] : memref<6x128xi32, #tpu.memory_space<vmem>> -> memref<1x128xi32, #tpu.memory_space<vmem>>
    %dma_start3A_6 = tpu.memref_squeeze %dma_start3A_5 : memref<1x128xi32, #tpu.memory_space<vmem>> -> memref<128xi32, #tpu.memory_space<vmem>>
    %dma_start3A_7 = arith.constant 0 : i32
    %dma_start3A_8 = arith.constant 0 : i32
    %dma_start3A_9 = tpu.memref_slice %arg2[%dma_start3A_7, %dma_start3A_8] : memref<8192x128xf32, #tpu.memory_space<hbm>> -> memref<8192x128xf32, #tpu.memory_space<hbm>>
    tpu.enqueue_indirect_dma source(%dma_start3A_9 : memref<8192x128xf32, #tpu.memory_space<hbm>>) target(%dma_start3A_3 : memref<128x128xf32, #tpu.memory_space<vmem>>) offsets(%dma_start3A_6 : memref<128xi32, #tpu.memory_space<vmem>>) semaphore(%arg7 : memref<!tpu.dma_semaphore, #tpu.memory_space<semaphore_mem>>)
    %dma_start3A_10 = arith.constant 1 : i32
    %dma_start3A_11 = arith.constant 128 : i32
    %dma_start3A_12 = arith.constant 0 : i32
    %dma_start3A_13 = tpu.memref_slice %arg6[%dma_start3A_11, %dma_start3A_12] : memref<768x128xf32, #tpu.memory_space<vmem>> -> memref<128x128xf32, #tpu.memory_space<vmem>>
    %dma_start3A_14 = arith.constant 0 : i32
    %dma_start3A_15 = tpu.memref_slice %arg5[%dma_start3A_10, %dma_start3A_14] : memref<6x128xi32, #tpu.memory_space<vmem>> -> memref<1x128xi32, #tpu.memory_space<vmem>>
    %dma_start3A_16 = tpu.memref_squeeze %dma_start3A_15 : memref<1x128xi32, #tpu.memory_space<vmem>> -> memref<128xi32, #tpu.memory_space<vmem>>
    %dma_start3A_17 = arith.constant 0 : i32
    %dma_start3A_18 = arith.constant 0 : i32
    %dma_start3A_19 = tpu.memref_slice %arg2[%dma_start3A_17, %dma_start3A_18] : memref<8192x128xf32, #tpu.memory_space<hbm>> -> memref<8192x128xf32, #tpu.memory_space<hbm>>
    tpu.enqueue_indirect_dma source(%dma_start3A_19 : memref<8192x128xf32, #tpu.memory_space<hbm>>) target(%dma_start3A_13 : memref<128x128xf32, #tpu.memory_space<vmem>>) offsets(%dma_start3A_16 : memref<128xi32, #tpu.memory_space<vmem>>) semaphore(%arg8 : memref<!tpu.dma_semaphore, #tpu.memory_space<semaphore_mem>>)
    %dma_start3A_20 = arith.constant 2 : i32
    %dma_start3A_21 = arith.constant 256 : i32
    %dma_start3A_22 = arith.constant 0 : i32
    %dma_start3A_23 = tpu.memref_slice %arg6[%dma_start3A_21, %dma_start3A_22] : memref<768x128xf32, #tpu.memory_space<vmem>> -> memref<128x128xf32, #tpu.memory_space<vmem>>
    %dma_start3A_24 = arith.constant 0 : i32
    %dma_start3A_25 = tpu.memref_slice %arg5[%dma_start3A_20, %dma_start3A_24] : memref<6x128xi32, #tpu.memory_space<vmem>> -> memref<1x128xi32, #tpu.memory_space<vmem>>
    %dma_start3A_26 = tpu.memref_squeeze %dma_start3A_25 : memref<1x128xi32, #tpu.memory_space<vmem>> -> memref<128xi32, #tpu.memory_space<vmem>>
    %dma_start3A_27 = arith.constant 0 : i32
    %dma_start3A_28 = arith.constant 0 : i32
    %dma_start3A_29 = tpu.memref_slice %arg2[%dma_start3A_27, %dma_start3A_28] : memref<8192x128xf32, #tpu.memory_space<hbm>> -> memref<8192x128xf32, #tpu.memory_space<hbm>>
    tpu.enqueue_indirect_dma source(%dma_start3A_29 : memref<8192x128xf32, #tpu.memory_space<hbm>>) target(%dma_start3A_23 : memref<128x128xf32, #tpu.memory_space<vmem>>) offsets(%dma_start3A_26 : memref<128xi32, #tpu.memory_space<vmem>>) semaphore(%arg9 : memref<!tpu.dma_semaphore, #tpu.memory_space<semaphore_mem>>)
    %dma_start3A_30 = arith.constant 3 : i32
    %dma_start3A_31 = arith.constant 384 : i32
    %dma_start3A_32 = arith.constant 0 : i32
    %dma_start3A_33 = tpu.memref_slice %arg6[%dma_start3A_31, %dma_start3A_32] : memref<768x128xf32, #tpu.memory_space<vmem>> -> memref<128x128xf32, #tpu.memory_space<vmem>>
    %dma_start3A_34 = arith.constant 0 : i32
    %dma_start3A_35 = tpu.memref_slice %arg5[%dma_start3A_30, %dma_start3A_34] : memref<6x128xi32, #tpu.memory_space<vmem>> -> memref<1x128xi32, #tpu.memory_space<vmem>>
    %dma_start3A_36 = tpu.memref_squeeze %dma_start3A_35 : memref<1x128xi32, #tpu.memory_space<vmem>> -> memref<128xi32, #tpu.memory_space<vmem>>
    %dma_start3A_37 = arith.constant 0 : i32
    %dma_start3A_38 = arith.constant 0 : i32
    %dma_start3A_39 = tpu.memref_slice %arg2[%dma_start3A_37, %dma_start3A_38] : memref<8192x128xf32, #tpu.memory_space<hbm>> -> memref<8192x128xf32, #tpu.memory_space<hbm>>
    tpu.enqueue_indirect_dma source(%dma_start3A_39 : memref<8192x128xf32, #tpu.memory_space<hbm>>) target(%dma_start3A_33 : memref<128x128xf32, #tpu.memory_space<vmem>>) offsets(%dma_start3A_36 : memref<128xi32, #tpu.memory_space<vmem>>) semaphore(%arg10 : memref<!tpu.dma_semaphore, #tpu.memory_space<semaphore_mem>>)
    %dma_start3A_40 = arith.constant 4 : i32
    %dma_start3A_41 = arith.constant 512 : i32
    %dma_start3A_42 = arith.constant 0 : i32
    %dma_start3A_43 = tpu.memref_slice %arg6[%dma_start3A_41, %dma_start3A_42] : memref<768x128xf32, #tpu.memory_space<vmem>> -> memref<128x128xf32, #tpu.memory_space<vmem>>
    %dma_start3A_44 = arith.constant 0 : i32
    %dma_start3A_45 = tpu.memref_slice %arg5[%dma_start3A_40, %dma_start3A_44] : memref<6x128xi32, #tpu.memory_space<vmem>> -> memref<1x128xi32, #tpu.memory_space<vmem>>
    %dma_start3A_46 = tpu.memref_squeeze %dma_start3A_45 : memref<1x128xi32, #tpu.memory_space<vmem>> -> memref<128xi32, #tpu.memory_space<vmem>>
    %dma_start3A_47 = arith.constant 0 : i32
    %dma_start3A_48 = arith.constant 0 : i32
    %dma_start3A_49 = tpu.memref_slice %arg2[%dma_start3A_47, %dma_start3A_48] : memref<8192x128xf32, #tpu.memory_space<hbm>> -> memref<8192x128xf32, #tpu.memory_space<hbm>>
    tpu.enqueue_indirect_dma source(%dma_start3A_49 : memref<8192x128xf32, #tpu.memory_space<hbm>>) target(%dma_start3A_43 : memref<128x128xf32, #tpu.memory_space<vmem>>) offsets(%dma_start3A_46 : memref<128xi32, #tpu.memory_space<vmem>>) semaphore(%arg11 : memref<!tpu.dma_semaphore, #tpu.memory_space<semaphore_mem>>)
    %dma_start3A_50 = arith.constant 5 : i32
    %dma_start3A_51 = arith.constant 640 : i32
    %dma_start3A_52 = arith.constant 0 : i32
    %dma_start3A_53 = tpu.memref_slice %arg6[%dma_start3A_51, %dma_start3A_52] : memref<768x128xf32, #tpu.memory_space<vmem>> -> memref<128x128xf32, #tpu.memory_space<vmem>>
    %dma_start3A_54 = arith.constant 0 : i32
    %dma_start3A_55 = tpu.memref_slice %arg5[%dma_start3A_50, %dma_start3A_54] : memref<6x128xi32, #tpu.memory_space<vmem>> -> memref<1x128xi32, #tpu.memory_space<vmem>>
    %dma_start3A_56 = tpu.memref_squeeze %dma_start3A_55 : memref<1x128xi32, #tpu.memory_space<vmem>> -> memref<128xi32, #tpu.memory_space<vmem>>
    %dma_start3A_57 = arith.constant 0 : i32
    %dma_start3A_58 = arith.constant 0 : i32
    %dma_start3A_59 = tpu.memref_slice %arg2[%dma_start3A_57, %dma_start3A_58] : memref<8192x128xf32, #tpu.memory_space<hbm>> -> memref<8192x128xf32, #tpu.memory_space<hbm>>
    tpu.enqueue_indirect_dma source(%dma_start3A_59 : memref<8192x128xf32, #tpu.memory_space<hbm>>) target(%dma_start3A_53 : memref<128x128xf32, #tpu.memory_space<vmem>>) offsets(%dma_start3A_56 : memref<128xi32, #tpu.memory_space<vmem>>) semaphore(%arg12 : memref<!tpu.dma_semaphore, #tpu.memory_space<semaphore_mem>>)
    %mul3A_60 = arith.constant 6 : i32
    %mul3A_61 = arith.muli %add3A, %mul3A_60 : i32
    %add3A_62 = arith.constant 0 : i32
    %add3A_63 = arith.addi %mul3A_61, %add3A_62 : i32
    %jit3A = arith.constant 64 : i32
    %div3A = arith.divsi %add3A_63, %jit3A : i32
    %sign3A = arith.constant 0 : i32
    %sign3A_64 = arith.cmpi sgt, %add3A_63, %sign3A : i32
    %sign3A_65 = arith.extui %sign3A_64 : i1 to i32
    %sign3A_66 = arith.constant 0 : i32
    %sign3A_67 = arith.cmpi slt, %add3A_63, %sign3A_66 : i32
    %sign3A_68 = arith.extui %sign3A_67 : i1 to i32
    %sign3A_69 = arith.subi %sign3A_65, %sign3A_68 : i32
    %sign3A_70 = arith.constant 0 : i32
    %sign3A_71 = arith.cmpi sgt, %jit3A, %sign3A_70 : i32
    %sign3A_72 = arith.extui %sign3A_71 : i1 to i32
    %sign3A_73 = arith.constant 0 : i32
    %sign3A_74 = arith.cmpi slt, %jit3A, %sign3A_73 : i32
    %sign3A_75 = arith.extui %sign3A_74 : i1 to i32
    %sign3A_76 = arith.subi %sign3A_72, %sign3A_75 : i32
    %ne3A = arith.cmpi ne, %sign3A_69, %sign3A_76 : i32
    %rem3A = arith.remsi %add3A_63, %jit3A : i32
    %ne3A_77 = arith.constant 0 : i32
    %ne3A_78 = arith.cmpi ne, %rem3A, %ne3A_77 : i32
    %and3A = arith.andi %ne3A, %ne3A_78 : i1
    %sub3A = arith.constant 1 : i32
    %sub3A_79 = arith.subi %div3A, %sub3A : i32
    %select_n3A = arith.select %and3A, %sub3A_79, %div3A : i32
    %jit3A_80 = arith.constant 64 : i32
    %eq3A = arith.constant 0 : i32
    %eq3A_81 = arith.cmpi eq, %jit3A_80, %eq3A : i32
    %jit3A_82 = arith.constant 1 : i32
    %select_n3A_83 = arith.select %eq3A_81, %jit3A_82, %jit3A_80 : i32
    %rem3A_84 = arith.remsi %add3A_63, %select_n3A_83 : i32
    %ne3A_85 = arith.constant 0 : i32
    %ne3A_86 = arith.cmpi ne, %rem3A_84, %ne3A_85 : i32
    %lt3A = arith.constant 0 : i32
    %lt3A_87 = arith.cmpi slt, %rem3A_84, %lt3A : i32
    %lt3A_88 = arith.constant 0 : i32
    %lt3A_89 = arith.cmpi slt, %select_n3A_83, %lt3A_88 : i32
    %ne3A_90 = arith.xori %lt3A_87, %lt3A_89 : i1
    %and3A_91 = arith.andi %ne3A_90, %ne3A_86 : i1
    %add3A_92 = arith.addi %rem3A_84, %select_n3A_83 : i32
    %select_n3A_93 = arith.select %and3A_91, %add3A_92, %rem3A_84 : i32
    %mul3A_94 = arith.constant 128 : i32
    %mul3A_95 = arith.muli %select_n3A_93, %mul3A_94 : i32
    %multiple_of3A = tpu.assume_multiple %mul3A_95, 128 : i32
    %dma_wait3A = arith.constant 0 : i32
    %dma_wait3A_96 = arith.constant 0 : i32
    %dma_wait3A_97 = arith.constant 0 : i32
    %dma_wait3A_98 = tpu.memref_slice %arg6[%dma_wait3A_96, %dma_wait3A_97] : memref<768x128xf32, #tpu.memory_space<vmem>> -> memref<128x128xf32, #tpu.memory_space<vmem>>
    %dma_wait3A_99 = arith.constant 0 : i32
    %dma_wait3A_100 = tpu.memref_slice %arg5[%dma_wait3A, %dma_wait3A_99] : memref<6x128xi32, #tpu.memory_space<vmem>> -> memref<1x128xi32, #tpu.memory_space<vmem>>
    %dma_wait3A_101 = tpu.memref_squeeze %dma_wait3A_100 : memref<1x128xi32, #tpu.memory_space<vmem>> -> memref<128xi32, #tpu.memory_space<vmem>>
    %dma_wait3A_102 = arith.constant 0 : i32
    %dma_wait3A_103 = arith.constant 0 : i32
    %dma_wait3A_104 = tpu.memref_slice %arg2[%dma_wait3A_102, %dma_wait3A_103] : memref<8192x128xf32, #tpu.memory_space<hbm>> -> memref<8192x128xf32, #tpu.memory_space<hbm>>
    tpu.wait_indirect_dma semaphore(%arg7 : memref<!tpu.dma_semaphore, #tpu.memory_space<semaphore_mem>>) src(%dma_wait3A_104 : memref<8192x128xf32, #tpu.memory_space<hbm>>) dst(%dma_wait3A_98 : memref<128x128xf32, #tpu.memory_space<vmem>>)
    %dma_start3A_105 = arith.constant 0 : i32
    %dma_start3A_106 = arith.constant 0 : i32
    %dma_start3A_107 = tpu.memref_slice %arg6[%dma_start3A_105, %dma_start3A_106] : memref<768x128xf32, #tpu.memory_space<vmem>> -> memref<128x128xf32, #tpu.memory_space<vmem>>
    %dma_start3A_108 = arith.constant 0 : i32
    %dma_start3A_109 = tpu.memref_slice %arg4[%select_n3A, %multiple_of3A, %dma_start3A_108] : memref<3x8192x128xf32, #tpu.memory_space<hbm>> -> memref<1x128x128xf32, #tpu.memory_space<hbm>>
    %dma_start3A_110 = tpu.memref_squeeze %dma_start3A_109 : memref<1x128x128xf32, #tpu.memory_space<hbm>> -> memref<128x128xf32, #tpu.memory_space<hbm>>
    %dma_start3A_111 = arith.constant 0 : i32
    %dma_start3A_112 = tpu.memref_slice %arg4[%select_n3A, %multiple_of3A, %dma_start3A_111] : memref<3x8192x128xf32, #tpu.memory_space<hbm>> -> memref<1x128x128xf32, #tpu.memory_space<hbm>>
    %dma_start3A_113 = tpu.memref_squeeze %dma_start3A_112 : memref<1x128x128xf32, #tpu.memory_space<hbm>> -> memref<128x128xf32, #tpu.memory_space<hbm>>
    %dma_start3A_114 = arith.constant 0 : i32
    %dma_start3A_115 = arith.constant 0 : i32
    %dma_start3A_116 = tpu.memref_slice %arg6[%dma_start3A_114, %dma_start3A_115] : memref<768x128xf32, #tpu.memory_space<vmem>> -> memref<128x128xf32, #tpu.memory_space<vmem>>
    tpu.enqueue_dma source(%dma_start3A_116 : memref<128x128xf32, #tpu.memory_space<vmem>>) target(%dma_start3A_113 : memref<128x128xf32, #tpu.memory_space<hbm>>) target_semaphore(%arg13 : memref<!tpu.dma_semaphore, #tpu.memory_space<semaphore_mem>>)
    %mul3A_117 = arith.constant 6 : i32
    %mul3A_118 = arith.muli %add3A, %mul3A_117 : i32
    %add3A_119 = arith.constant 1 : i32
    %add3A_120 = arith.addi %mul3A_118, %add3A_119 : i32
    %jit3A_121 = arith.constant 64 : i32
    %div3A_122 = arith.divsi %add3A_120, %jit3A_121 : i32
    %sign3A_123 = arith.constant 0 : i32
    %sign3A_124 = arith.cmpi sgt, %add3A_120, %sign3A_123 : i32
    %sign3A_125 = arith.extui %sign3A_124 : i1 to i32
    %sign3A_126 = arith.constant 0 : i32
    %sign3A_127 = arith.cmpi slt, %add3A_120, %sign3A_126 : i32
    %sign3A_128 = arith.extui %sign3A_127 : i1 to i32
    %sign3A_129 = arith.subi %sign3A_125, %sign3A_128 : i32
    %sign3A_130 = arith.constant 0 : i32
    %sign3A_131 = arith.cmpi sgt, %jit3A_121, %sign3A_130 : i32
    %sign3A_132 = arith.extui %sign3A_131 : i1 to i32
    %sign3A_133 = arith.constant 0 : i32
    %sign3A_134 = arith.cmpi slt, %jit3A_121, %sign3A_133 : i32
    %sign3A_135 = arith.extui %sign3A_134 : i1 to i32
    %sign3A_136 = arith.subi %sign3A_132, %sign3A_135 : i32
    %ne3A_137 = arith.cmpi ne, %sign3A_129, %sign3A_136 : i32
    %rem3A_138 = arith.remsi %add3A_120, %jit3A_121 : i32
    %ne3A_139 = arith.constant 0 : i32
    %ne3A_140 = arith.cmpi ne, %rem3A_138, %ne3A_139 : i32
    %and3A_141 = arith.andi %ne3A_137, %ne3A_140 : i1
    %sub3A_142 = arith.constant 1 : i32
    %sub3A_143 = arith.subi %div3A_122, %sub3A_142 : i32
    %select_n3A_144 = arith.select %and3A_141, %sub3A_143, %div3A_122 : i32
    %jit3A_145 = arith.constant 64 : i32
    %eq3A_146 = arith.constant 0 : i32
    %eq3A_147 = arith.cmpi eq, %jit3A_145, %eq3A_146 : i32
    %jit3A_148 = arith.constant 1 : i32
    %select_n3A_149 = arith.select %eq3A_147, %jit3A_148, %jit3A_145 : i32
    %rem3A_150 = arith.remsi %add3A_120, %select_n3A_149 : i32
    %ne3A_151 = arith.constant 0 : i32
    %ne3A_152 = arith.cmpi ne, %rem3A_150, %ne3A_151 : i32
    %lt3A_153 = arith.constant 0 : i32
    %lt3A_154 = arith.cmpi slt, %rem3A_150, %lt3A_153 : i32
    %lt3A_155 = arith.constant 0 : i32
    %lt3A_156 = arith.cmpi slt, %select_n3A_149, %lt3A_155 : i32
    %ne3A_157 = arith.xori %lt3A_154, %lt3A_156 : i1
    %and3A_158 = arith.andi %ne3A_157, %ne3A_152 : i1
    %add3A_159 = arith.addi %rem3A_150, %select_n3A_149 : i32
    %select_n3A_160 = arith.select %and3A_158, %add3A_159, %rem3A_150 : i32
    %mul3A_161 = arith.constant 128 : i32
    %mul3A_162 = arith.muli %select_n3A_160, %mul3A_161 : i32
    %multiple_of3A_163 = tpu.assume_multiple %mul3A_162, 128 : i32
    %dma_wait3A_164 = arith.constant 1 : i32
    %dma_wait3A_165 = arith.constant 128 : i32
    %dma_wait3A_166 = arith.constant 0 : i32
    %dma_wait3A_167 = tpu.memref_slice %arg6[%dma_wait3A_165, %dma_wait3A_166] : memref<768x128xf32, #tpu.memory_space<vmem>> -> memref<128x128xf32, #tpu.memory_space<vmem>>
    %dma_wait3A_168 = arith.constant 0 : i32
    %dma_wait3A_169 = tpu.memref_slice %arg5[%dma_wait3A_164, %dma_wait3A_168] : memref<6x128xi32, #tpu.memory_space<vmem>> -> memref<1x128xi32, #tpu.memory_space<vmem>>
    %dma_wait3A_170 = tpu.memref_squeeze %dma_wait3A_169 : memref<1x128xi32, #tpu.memory_space<vmem>> -> memref<128xi32, #tpu.memory_space<vmem>>
    %dma_wait3A_171 = arith.constant 0 : i32
    %dma_wait3A_172 = arith.constant 0 : i32
    %dma_wait3A_173 = tpu.memref_slice %arg2[%dma_wait3A_171, %dma_wait3A_172] : memref<8192x128xf32, #tpu.memory_space<hbm>> -> memref<8192x128xf32, #tpu.memory_space<hbm>>
    tpu.wait_indirect_dma semaphore(%arg8 : memref<!tpu.dma_semaphore, #tpu.memory_space<semaphore_mem>>) src(%dma_wait3A_173 : memref<8192x128xf32, #tpu.memory_space<hbm>>) dst(%dma_wait3A_167 : memref<128x128xf32, #tpu.memory_space<vmem>>)
    %dma_start3A_174 = arith.constant 128 : i32
    %dma_start3A_175 = arith.constant 0 : i32
    %dma_start3A_176 = tpu.memref_slice %arg6[%dma_start3A_174, %dma_start3A_175] : memref<768x128xf32, #tpu.memory_space<vmem>> -> memref<128x128xf32, #tpu.memory_space<vmem>>
    %dma_start3A_177 = arith.constant 0 : i32
    %dma_start3A_178 = tpu.memref_slice %arg4[%select_n3A_144, %multiple_of3A_163, %dma_start3A_177] : memref<3x8192x128xf32, #tpu.memory_space<hbm>> -> memref<1x128x128xf32, #tpu.memory_space<hbm>>
    %dma_start3A_179 = tpu.memref_squeeze %dma_start3A_178 : memref<1x128x128xf32, #tpu.memory_space<hbm>> -> memref<128x128xf32, #tpu.memory_space<hbm>>
    %dma_start3A_180 = arith.constant 0 : i32
    %dma_start3A_181 = tpu.memref_slice %arg4[%select_n3A_144, %multiple_of3A_163, %dma_start3A_180] : memref<3x8192x128xf32, #tpu.memory_space<hbm>> -> memref<1x128x128xf32, #tpu.memory_space<hbm>>
    %dma_start3A_182 = tpu.memref_squeeze %dma_start3A_181 : memref<1x128x128xf32, #tpu.memory_space<hbm>> -> memref<128x128xf32, #tpu.memory_space<hbm>>
    %dma_start3A_183 = arith.constant 128 : i32
    %dma_start3A_184 = arith.constant 0 : i32
    %dma_start3A_185 = tpu.memref_slice %arg6[%dma_start3A_183, %dma_start3A_184] : memref<768x128xf32, #tpu.memory_space<vmem>> -> memref<128x128xf32, #tpu.memory_space<vmem>>
    tpu.enqueue_dma source(%dma_start3A_185 : memref<128x128xf32, #tpu.memory_space<vmem>>) target(%dma_start3A_182 : memref<128x128xf32, #tpu.memory_space<hbm>>) target_semaphore(%arg13 : memref<!tpu.dma_semaphore, #tpu.memory_space<semaphore_mem>>)
    %mul3A_186 = arith.constant 6 : i32
    %mul3A_187 = arith.muli %add3A, %mul3A_186 : i32
    %add3A_188 = arith.constant 2 : i32
    %add3A_189 = arith.addi %mul3A_187, %add3A_188 : i32
    %jit3A_190 = arith.constant 64 : i32
    %div3A_191 = arith.divsi %add3A_189, %jit3A_190 : i32
    %sign3A_192 = arith.constant 0 : i32
    %sign3A_193 = arith.cmpi sgt, %add3A_189, %sign3A_192 : i32
    %sign3A_194 = arith.extui %sign3A_193 : i1 to i32
    %sign3A_195 = arith.constant 0 : i32
    %sign3A_196 = arith.cmpi slt, %add3A_189, %sign3A_195 : i32
    %sign3A_197 = arith.extui %sign3A_196 : i1 to i32
    %sign3A_198 = arith.subi %sign3A_194, %sign3A_197 : i32
    %sign3A_199 = arith.constant 0 : i32
    %sign3A_200 = arith.cmpi sgt, %jit3A_190, %sign3A_199 : i32
    %sign3A_201 = arith.extui %sign3A_200 : i1 to i32
    %sign3A_202 = arith.constant 0 : i32
    %sign3A_203 = arith.cmpi slt, %jit3A_190, %sign3A_202 : i32
    %sign3A_204 = arith.extui %sign3A_203 : i1 to i32
    %sign3A_205 = arith.subi %sign3A_201, %sign3A_204 : i32
    %ne3A_206 = arith.cmpi ne, %sign3A_198, %sign3A_205 : i32
    %rem3A_207 = arith.remsi %add3A_189, %jit3A_190 : i32
    %ne3A_208 = arith.constant 0 : i32
    %ne3A_209 = arith.cmpi ne, %rem3A_207, %ne3A_208 : i32
    %and3A_210 = arith.andi %ne3A_206, %ne3A_209 : i1
    %sub3A_211 = arith.constant 1 : i32
    %sub3A_212 = arith.subi %div3A_191, %sub3A_211 : i32
    %select_n3A_213 = arith.select %and3A_210, %sub3A_212, %div3A_191 : i32
    %jit3A_214 = arith.constant 64 : i32
    %eq3A_215 = arith.constant 0 : i32
    %eq3A_216 = arith.cmpi eq, %jit3A_214, %eq3A_215 : i32
    %jit3A_217 = arith.constant 1 : i32
    %select_n3A_218 = arith.select %eq3A_216, %jit3A_217, %jit3A_214 : i32
    %rem3A_219 = arith.remsi %add3A_189, %select_n3A_218 : i32
    %ne3A_220 = arith.constant 0 : i32
    %ne3A_221 = arith.cmpi ne, %rem3A_219, %ne3A_220 : i32
    %lt3A_222 = arith.constant 0 : i32
    %lt3A_223 = arith.cmpi slt, %rem3A_219, %lt3A_222 : i32
    %lt3A_224 = arith.constant 0 : i32
    %lt3A_225 = arith.cmpi slt, %select_n3A_218, %lt3A_224 : i32
    %ne3A_226 = arith.xori %lt3A_223, %lt3A_225 : i1
    %and3A_227 = arith.andi %ne3A_226, %ne3A_221 : i1
    %add3A_228 = arith.addi %rem3A_219, %select_n3A_218 : i32
    %select_n3A_229 = arith.select %and3A_227, %add3A_228, %rem3A_219 : i32
    %mul3A_230 = arith.constant 128 : i32
    %mul3A_231 = arith.muli %select_n3A_229, %mul3A_230 : i32
    %multiple_of3A_232 = tpu.assume_multiple %mul3A_231, 128 : i32
    %dma_wait3A_233 = arith.constant 2 : i32
    %dma_wait3A_234 = arith.constant 256 : i32
    %dma_wait3A_235 = arith.constant 0 : i32
    %dma_wait3A_236 = tpu.memref_slice %arg6[%dma_wait3A_234, %dma_wait3A_235] : memref<768x128xf32, #tpu.memory_space<vmem>> -> memref<128x128xf32, #tpu.memory_space<vmem>>
    %dma_wait3A_237 = arith.constant 0 : i32
    %dma_wait3A_238 = tpu.memref_slice %arg5[%dma_wait3A_233, %dma_wait3A_237] : memref<6x128xi32, #tpu.memory_space<vmem>> -> memref<1x128xi32, #tpu.memory_space<vmem>>
    %dma_wait3A_239 = tpu.memref_squeeze %dma_wait3A_238 : memref<1x128xi32, #tpu.memory_space<vmem>> -> memref<128xi32, #tpu.memory_space<vmem>>
    %dma_wait3A_240 = arith.constant 0 : i32
    %dma_wait3A_241 = arith.constant 0 : i32
    %dma_wait3A_242 = tpu.memref_slice %arg2[%dma_wait3A_240, %dma_wait3A_241] : memref<8192x128xf32, #tpu.memory_space<hbm>> -> memref<8192x128xf32, #tpu.memory_space<hbm>>
    tpu.wait_indirect_dma semaphore(%arg9 : memref<!tpu.dma_semaphore, #tpu.memory_space<semaphore_mem>>) src(%dma_wait3A_242 : memref<8192x128xf32, #tpu.memory_space<hbm>>) dst(%dma_wait3A_236 : memref<128x128xf32, #tpu.memory_space<vmem>>)
    %dma_start3A_243 = arith.constant 256 : i32
    %dma_start3A_244 = arith.constant 0 : i32
    %dma_start3A_245 = tpu.memref_slice %arg6[%dma_start3A_243, %dma_start3A_244] : memref<768x128xf32, #tpu.memory_space<vmem>> -> memref<128x128xf32, #tpu.memory_space<vmem>>
    %dma_start3A_246 = arith.constant 0 : i32
    %dma_start3A_247 = tpu.memref_slice %arg4[%select_n3A_213, %multiple_of3A_232, %dma_start3A_246] : memref<3x8192x128xf32, #tpu.memory_space<hbm>> -> memref<1x128x128xf32, #tpu.memory_space<hbm>>
    %dma_start3A_248 = tpu.memref_squeeze %dma_start3A_247 : memref<1x128x128xf32, #tpu.memory_space<hbm>> -> memref<128x128xf32, #tpu.memory_space<hbm>>
    %dma_start3A_249 = arith.constant 0 : i32
    %dma_start3A_250 = tpu.memref_slice %arg4[%select_n3A_213, %multiple_of3A_232, %dma_start3A_249] : memref<3x8192x128xf32, #tpu.memory_space<hbm>> -> memref<1x128x128xf32, #tpu.memory_space<hbm>>
    %dma_start3A_251 = tpu.memref_squeeze %dma_start3A_250 : memref<1x128x128xf32, #tpu.memory_space<hbm>> -> memref<128x128xf32, #tpu.memory_space<hbm>>
    %dma_start3A_252 = arith.constant 256 : i32
    %dma_start3A_253 = arith.constant 0 : i32
    %dma_start3A_254 = tpu.memref_slice %arg6[%dma_start3A_252, %dma_start3A_253] : memref<768x128xf32, #tpu.memory_space<vmem>> -> memref<128x128xf32, #tpu.memory_space<vmem>>
    tpu.enqueue_dma source(%dma_start3A_254 : memref<128x128xf32, #tpu.memory_space<vmem>>) target(%dma_start3A_251 : memref<128x128xf32, #tpu.memory_space<hbm>>) target_semaphore(%arg13 : memref<!tpu.dma_semaphore, #tpu.memory_space<semaphore_mem>>)
    %mul3A_255 = arith.constant 6 : i32
    %mul3A_256 = arith.muli %add3A, %mul3A_255 : i32
    %add3A_257 = arith.constant 3 : i32
    %add3A_258 = arith.addi %mul3A_256, %add3A_257 : i32
    %jit3A_259 = arith.constant 64 : i32
    %div3A_260 = arith.divsi %add3A_258, %jit3A_259 : i32
    %sign3A_261 = arith.constant 0 : i32
    %sign3A_262 = arith.cmpi sgt, %add3A_258, %sign3A_261 : i32
    %sign3A_263 = arith.extui %sign3A_262 : i1 to i32
    %sign3A_264 = arith.constant 0 : i32
    %sign3A_265 = arith.cmpi slt, %add3A_258, %sign3A_264 : i32
    %sign3A_266 = arith.extui %sign3A_265 : i1 to i32
    %sign3A_267 = arith.subi %sign3A_263, %sign3A_266 : i32
    %sign3A_268 = arith.constant 0 : i32
    %sign3A_269 = arith.cmpi sgt, %jit3A_259, %sign3A_268 : i32
    %sign3A_270 = arith.extui %sign3A_269 : i1 to i32
    %sign3A_271 = arith.constant 0 : i32
    %sign3A_272 = arith.cmpi slt, %jit3A_259, %sign3A_271 : i32
    %sign3A_273 = arith.extui %sign3A_272 : i1 to i32
    %sign3A_274 = arith.subi %sign3A_270, %sign3A_273 : i32
    %ne3A_275 = arith.cmpi ne, %sign3A_267, %sign3A_274 : i32
    %rem3A_276 = arith.remsi %add3A_258, %jit3A_259 : i32
    %ne3A_277 = arith.constant 0 : i32
    %ne3A_278 = arith.cmpi ne, %rem3A_276, %ne3A_277 : i32
    %and3A_279 = arith.andi %ne3A_275, %ne3A_278 : i1
    %sub3A_280 = arith.constant 1 : i32
    %sub3A_281 = arith.subi %div3A_260, %sub3A_280 : i32
    %select_n3A_282 = arith.select %and3A_279, %sub3A_281, %div3A_260 : i32
    %jit3A_283 = arith.constant 64 : i32
    %eq3A_284 = arith.constant 0 : i32
    %eq3A_285 = arith.cmpi eq, %jit3A_283, %eq3A_284 : i32
    %jit3A_286 = arith.constant 1 : i32
    %select_n3A_287 = arith.select %eq3A_285, %jit3A_286, %jit3A_283 : i32
    %rem3A_288 = arith.remsi %add3A_258, %select_n3A_287 : i32
    %ne3A_289 = arith.constant 0 : i32
    %ne3A_290 = arith.cmpi ne, %rem3A_288, %ne3A_289 : i32
    %lt3A_291 = arith.constant 0 : i32
    %lt3A_292 = arith.cmpi slt, %rem3A_288, %lt3A_291 : i32
    %lt3A_293 = arith.constant 0 : i32
    %lt3A_294 = arith.cmpi slt, %select_n3A_287, %lt3A_293 : i32
    %ne3A_295 = arith.xori %lt3A_292, %lt3A_294 : i1
    %and3A_296 = arith.andi %ne3A_295, %ne3A_290 : i1
    %add3A_297 = arith.addi %rem3A_288, %select_n3A_287 : i32
    %select_n3A_298 = arith.select %and3A_296, %add3A_297, %rem3A_288 : i32
    %mul3A_299 = arith.constant 128 : i32
    %mul3A_300 = arith.muli %select_n3A_298, %mul3A_299 : i32
    %multiple_of3A_301 = tpu.assume_multiple %mul3A_300, 128 : i32
    %dma_wait3A_302 = arith.constant 3 : i32
    %dma_wait3A_303 = arith.constant 384 : i32
    %dma_wait3A_304 = arith.constant 0 : i32
    %dma_wait3A_305 = tpu.memref_slice %arg6[%dma_wait3A_303, %dma_wait3A_304] : memref<768x128xf32, #tpu.memory_space<vmem>> -> memref<128x128xf32, #tpu.memory_space<vmem>>
    %dma_wait3A_306 = arith.constant 0 : i32
    %dma_wait3A_307 = tpu.memref_slice %arg5[%dma_wait3A_302, %dma_wait3A_306] : memref<6x128xi32, #tpu.memory_space<vmem>> -> memref<1x128xi32, #tpu.memory_space<vmem>>
    %dma_wait3A_308 = tpu.memref_squeeze %dma_wait3A_307 : memref<1x128xi32, #tpu.memory_space<vmem>> -> memref<128xi32, #tpu.memory_space<vmem>>
    %dma_wait3A_309 = arith.constant 0 : i32
    %dma_wait3A_310 = arith.constant 0 : i32
    %dma_wait3A_311 = tpu.memref_slice %arg2[%dma_wait3A_309, %dma_wait3A_310] : memref<8192x128xf32, #tpu.memory_space<hbm>> -> memref<8192x128xf32, #tpu.memory_space<hbm>>
    tpu.wait_indirect_dma semaphore(%arg10 : memref<!tpu.dma_semaphore, #tpu.memory_space<semaphore_mem>>) src(%dma_wait3A_311 : memref<8192x128xf32, #tpu.memory_space<hbm>>) dst(%dma_wait3A_305 : memref<128x128xf32, #tpu.memory_space<vmem>>)
    %dma_start3A_312 = arith.constant 384 : i32
    %dma_start3A_313 = arith.constant 0 : i32
    %dma_start3A_314 = tpu.memref_slice %arg6[%dma_start3A_312, %dma_start3A_313] : memref<768x128xf32, #tpu.memory_space<vmem>> -> memref<128x128xf32, #tpu.memory_space<vmem>>
    %dma_start3A_315 = arith.constant 0 : i32
    %dma_start3A_316 = tpu.memref_slice %arg4[%select_n3A_282, %multiple_of3A_301, %dma_start3A_315] : memref<3x8192x128xf32, #tpu.memory_space<hbm>> -> memref<1x128x128xf32, #tpu.memory_space<hbm>>
    %dma_start3A_317 = tpu.memref_squeeze %dma_start3A_316 : memref<1x128x128xf32, #tpu.memory_space<hbm>> -> memref<128x128xf32, #tpu.memory_space<hbm>>
    %dma_start3A_318 = arith.constant 0 : i32
    %dma_start3A_319 = tpu.memref_slice %arg4[%select_n3A_282, %multiple_of3A_301, %dma_start3A_318] : memref<3x8192x128xf32, #tpu.memory_space<hbm>> -> memref<1x128x128xf32, #tpu.memory_space<hbm>>
    %dma_start3A_320 = tpu.memref_squeeze %dma_start3A_319 : memref<1x128x128xf32, #tpu.memory_space<hbm>> -> memref<128x128xf32, #tpu.memory_space<hbm>>
    %dma_start3A_321 = arith.constant 384 : i32
    %dma_start3A_322 = arith.constant 0 : i32
    %dma_start3A_323 = tpu.memref_slice %arg6[%dma_start3A_321, %dma_start3A_322] : memref<768x128xf32, #tpu.memory_space<vmem>> -> memref<128x128xf32, #tpu.memory_space<vmem>>
    tpu.enqueue_dma source(%dma_start3A_323 : memref<128x128xf32, #tpu.memory_space<vmem>>) target(%dma_start3A_320 : memref<128x128xf32, #tpu.memory_space<hbm>>) target_semaphore(%arg13 : memref<!tpu.dma_semaphore, #tpu.memory_space<semaphore_mem>>)
    %mul3A_324 = arith.constant 6 : i32
    %mul3A_325 = arith.muli %add3A, %mul3A_324 : i32
    %add3A_326 = arith.constant 4 : i32
    %add3A_327 = arith.addi %mul3A_325, %add3A_326 : i32
    %jit3A_328 = arith.constant 64 : i32
    %div3A_329 = arith.divsi %add3A_327, %jit3A_328 : i32
    %sign3A_330 = arith.constant 0 : i32
    %sign3A_331 = arith.cmpi sgt, %add3A_327, %sign3A_330 : i32
    %sign3A_332 = arith.extui %sign3A_331 : i1 to i32
    %sign3A_333 = arith.constant 0 : i32
    %sign3A_334 = arith.cmpi slt, %add3A_327, %sign3A_333 : i32
    %sign3A_335 = arith.extui %sign3A_334 : i1 to i32
    %sign3A_336 = arith.subi %sign3A_332, %sign3A_335 : i32
    %sign3A_337 = arith.constant 0 : i32
    %sign3A_338 = arith.cmpi sgt, %jit3A_328, %sign3A_337 : i32
    %sign3A_339 = arith.extui %sign3A_338 : i1 to i32
    %sign3A_340 = arith.constant 0 : i32
    %sign3A_341 = arith.cmpi slt, %jit3A_328, %sign3A_340 : i32
    %sign3A_342 = arith.extui %sign3A_341 : i1 to i32
    %sign3A_343 = arith.subi %sign3A_339, %sign3A_342 : i32
    %ne3A_344 = arith.cmpi ne, %sign3A_336, %sign3A_343 : i32
    %rem3A_345 = arith.remsi %add3A_327, %jit3A_328 : i32
    %ne3A_346 = arith.constant 0 : i32
    %ne3A_347 = arith.cmpi ne, %rem3A_345, %ne3A_346 : i32
    %and3A_348 = arith.andi %ne3A_344, %ne3A_347 : i1
    %sub3A_349 = arith.constant 1 : i32
    %sub3A_350 = arith.subi %div3A_329, %sub3A_349 : i32
    %select_n3A_351 = arith.select %and3A_348, %sub3A_350, %div3A_329 : i32
    %jit3A_352 = arith.constant 64 : i32
    %eq3A_353 = arith.constant 0 : i32
    %eq3A_354 = arith.cmpi eq, %jit3A_352, %eq3A_353 : i32
    %jit3A_355 = arith.constant 1 : i32
    %select_n3A_356 = arith.select %eq3A_354, %jit3A_355, %jit3A_352 : i32
    %rem3A_357 = arith.remsi %add3A_327, %select_n3A_356 : i32
    %ne3A_358 = arith.constant 0 : i32
    %ne3A_359 = arith.cmpi ne, %rem3A_357, %ne3A_358 : i32
    %lt3A_360 = arith.constant 0 : i32
    %lt3A_361 = arith.cmpi slt, %rem3A_357, %lt3A_360 : i32
    %lt3A_362 = arith.constant 0 : i32
    %lt3A_363 = arith.cmpi slt, %select_n3A_356, %lt3A_362 : i32
    %ne3A_364 = arith.xori %lt3A_361, %lt3A_363 : i1
    %and3A_365 = arith.andi %ne3A_364, %ne3A_359 : i1
    %add3A_366 = arith.addi %rem3A_357, %select_n3A_356 : i32
    %select_n3A_367 = arith.select %and3A_365, %add3A_366, %rem3A_357 : i32
    %mul3A_368 = arith.constant 128 : i32
    %mul3A_369 = arith.muli %select_n3A_367, %mul3A_368 : i32
    %multiple_of3A_370 = tpu.assume_multiple %mul3A_369, 128 : i32
    %dma_wait3A_371 = arith.constant 4 : i32
    %dma_wait3A_372 = arith.constant 512 : i32
    %dma_wait3A_373 = arith.constant 0 : i32
    %dma_wait3A_374 = tpu.memref_slice %arg6[%dma_wait3A_372, %dma_wait3A_373] : memref<768x128xf32, #tpu.memory_space<vmem>> -> memref<128x128xf32, #tpu.memory_space<vmem>>
    %dma_wait3A_375 = arith.constant 0 : i32
    %dma_wait3A_376 = tpu.memref_slice %arg5[%dma_wait3A_371, %dma_wait3A_375] : memref<6x128xi32, #tpu.memory_space<vmem>> -> memref<1x128xi32, #tpu.memory_space<vmem>>
    %dma_wait3A_377 = tpu.memref_squeeze %dma_wait3A_376 : memref<1x128xi32, #tpu.memory_space<vmem>> -> memref<128xi32, #tpu.memory_space<vmem>>
    %dma_wait3A_378 = arith.constant 0 : i32
    %dma_wait3A_379 = arith.constant 0 : i32
    %dma_wait3A_380 = tpu.memref_slice %arg2[%dma_wait3A_378, %dma_wait3A_379] : memref<8192x128xf32, #tpu.memory_space<hbm>> -> memref<8192x128xf32, #tpu.memory_space<hbm>>
    tpu.wait_indirect_dma semaphore(%arg11 : memref<!tpu.dma_semaphore, #tpu.memory_space<semaphore_mem>>) src(%dma_wait3A_380 : memref<8192x128xf32, #tpu.memory_space<hbm>>) dst(%dma_wait3A_374 : memref<128x128xf32, #tpu.memory_space<vmem>>)
    %dma_start3A_381 = arith.constant 512 : i32
    %dma_start3A_382 = arith.constant 0 : i32
    %dma_start3A_383 = tpu.memref_slice %arg6[%dma_start3A_381, %dma_start3A_382] : memref<768x128xf32, #tpu.memory_space<vmem>> -> memref<128x128xf32, #tpu.memory_space<vmem>>
    %dma_start3A_384 = arith.constant 0 : i32
    %dma_start3A_385 = tpu.memref_slice %arg4[%select_n3A_351, %multiple_of3A_370, %dma_start3A_384] : memref<3x8192x128xf32, #tpu.memory_space<hbm>> -> memref<1x128x128xf32, #tpu.memory_space<hbm>>
    %dma_start3A_386 = tpu.memref_squeeze %dma_start3A_385 : memref<1x128x128xf32, #tpu.memory_space<hbm>> -> memref<128x128xf32, #tpu.memory_space<hbm>>
    %dma_start3A_387 = arith.constant 0 : i32
    %dma_start3A_388 = tpu.memref_slice %arg4[%select_n3A_351, %multiple_of3A_370, %dma_start3A_387] : memref<3x8192x128xf32, #tpu.memory_space<hbm>> -> memref<1x128x128xf32, #tpu.memory_space<hbm>>
    %dma_start3A_389 = tpu.memref_squeeze %dma_start3A_388 : memref<1x128x128xf32, #tpu.memory_space<hbm>> -> memref<128x128xf32, #tpu.memory_space<hbm>>
    %dma_start3A_390 = arith.constant 512 : i32
    %dma_start3A_391 = arith.constant 0 : i32
    %dma_start3A_392 = tpu.memref_slice %arg6[%dma_start3A_390, %dma_start3A_391] : memref<768x128xf32, #tpu.memory_space<vmem>> -> memref<128x128xf32, #tpu.memory_space<vmem>>
    tpu.enqueue_dma source(%dma_start3A_392 : memref<128x128xf32, #tpu.memory_space<vmem>>) target(%dma_start3A_389 : memref<128x128xf32, #tpu.memory_space<hbm>>) target_semaphore(%arg13 : memref<!tpu.dma_semaphore, #tpu.memory_space<semaphore_mem>>)
    %mul3A_393 = arith.constant 6 : i32
    %mul3A_394 = arith.muli %add3A, %mul3A_393 : i32
    %add3A_395 = arith.constant 5 : i32
    %add3A_396 = arith.addi %mul3A_394, %add3A_395 : i32
    %jit3A_397 = arith.constant 64 : i32
    %div3A_398 = arith.divsi %add3A_396, %jit3A_397 : i32
    %sign3A_399 = arith.constant 0 : i32
    %sign3A_400 = arith.cmpi sgt, %add3A_396, %sign3A_399 : i32
    %sign3A_401 = arith.extui %sign3A_400 : i1 to i32
    %sign3A_402 = arith.constant 0 : i32
    %sign3A_403 = arith.cmpi slt, %add3A_396, %sign3A_402 : i32
    %sign3A_404 = arith.extui %sign3A_403 : i1 to i32
    %sign3A_405 = arith.subi %sign3A_401, %sign3A_404 : i32
    %sign3A_406 = arith.constant 0 : i32
    %sign3A_407 = arith.cmpi sgt, %jit3A_397, %sign3A_406 : i32
    %sign3A_408 = arith.extui %sign3A_407 : i1 to i32
    %sign3A_409 = arith.constant 0 : i32
    %sign3A_410 = arith.cmpi slt, %jit3A_397, %sign3A_409 : i32
    %sign3A_411 = arith.extui %sign3A_410 : i1 to i32
    %sign3A_412 = arith.subi %sign3A_408, %sign3A_411 : i32
    %ne3A_413 = arith.cmpi ne, %sign3A_405, %sign3A_412 : i32
    %rem3A_414 = arith.remsi %add3A_396, %jit3A_397 : i32
    %ne3A_415 = arith.constant 0 : i32
    %ne3A_416 = arith.cmpi ne, %rem3A_414, %ne3A_415 : i32
    %and3A_417 = arith.andi %ne3A_413, %ne3A_416 : i1
    %sub3A_418 = arith.constant 1 : i32
    %sub3A_419 = arith.subi %div3A_398, %sub3A_418 : i32
    %select_n3A_420 = arith.select %and3A_417, %sub3A_419, %div3A_398 : i32
    %jit3A_421 = arith.constant 64 : i32
    %eq3A_422 = arith.constant 0 : i32
    %eq3A_423 = arith.cmpi eq, %jit3A_421, %eq3A_422 : i32
    %jit3A_424 = arith.constant 1 : i32
    %select_n3A_425 = arith.select %eq3A_423, %jit3A_424, %jit3A_421 : i32
    %rem3A_426 = arith.remsi %add3A_396, %select_n3A_425 : i32
    %ne3A_427 = arith.constant 0 : i32
    %ne3A_428 = arith.cmpi ne, %rem3A_426, %ne3A_427 : i32
    %lt3A_429 = arith.constant 0 : i32
    %lt3A_430 = arith.cmpi slt, %rem3A_426, %lt3A_429 : i32
    %lt3A_431 = arith.constant 0 : i32
    %lt3A_432 = arith.cmpi slt, %select_n3A_425, %lt3A_431 : i32
    %ne3A_433 = arith.xori %lt3A_430, %lt3A_432 : i1
    %and3A_434 = arith.andi %ne3A_433, %ne3A_428 : i1
    %add3A_435 = arith.addi %rem3A_426, %select_n3A_425 : i32
    %select_n3A_436 = arith.select %and3A_434, %add3A_435, %rem3A_426 : i32
    %mul3A_437 = arith.constant 128 : i32
    %mul3A_438 = arith.muli %select_n3A_436, %mul3A_437 : i32
    %multiple_of3A_439 = tpu.assume_multiple %mul3A_438, 128 : i32
    %dma_wait3A_440 = arith.constant 5 : i32
    %dma_wait3A_441 = arith.constant 640 : i32
    %dma_wait3A_442 = arith.constant 0 : i32
    %dma_wait3A_443 = tpu.memref_slice %arg6[%dma_wait3A_441, %dma_wait3A_442] : memref<768x128xf32, #tpu.memory_space<vmem>> -> memref<128x128xf32, #tpu.memory_space<vmem>>
    %dma_wait3A_444 = arith.constant 0 : i32
    %dma_wait3A_445 = tpu.memref_slice %arg5[%dma_wait3A_440, %dma_wait3A_444] : memref<6x128xi32, #tpu.memory_space<vmem>> -> memref<1x128xi32, #tpu.memory_space<vmem>>
    %dma_wait3A_446 = tpu.memref_squeeze %dma_wait3A_445 : memref<1x128xi32, #tpu.memory_space<vmem>> -> memref<128xi32, #tpu.memory_space<vmem>>
    %dma_wait3A_447 = arith.constant 0 : i32
    %dma_wait3A_448 = arith.constant 0 : i32
    %dma_wait3A_449 = tpu.memref_slice %arg2[%dma_wait3A_447, %dma_wait3A_448] : memref<8192x128xf32, #tpu.memory_space<hbm>> -> memref<8192x128xf32, #tpu.memory_space<hbm>>
    tpu.wait_indirect_dma semaphore(%arg12 : memref<!tpu.dma_semaphore, #tpu.memory_space<semaphore_mem>>) src(%dma_wait3A_449 : memref<8192x128xf32, #tpu.memory_space<hbm>>) dst(%dma_wait3A_443 : memref<128x128xf32, #tpu.memory_space<vmem>>)
    %dma_start3A_450 = arith.constant 640 : i32
    %dma_start3A_451 = arith.constant 0 : i32
    %dma_start3A_452 = tpu.memref_slice %arg6[%dma_start3A_450, %dma_start3A_451] : memref<768x128xf32, #tpu.memory_space<vmem>> -> memref<128x128xf32, #tpu.memory_space<vmem>>
    %dma_start3A_453 = arith.constant 0 : i32
    %dma_start3A_454 = tpu.memref_slice %arg4[%select_n3A_420, %multiple_of3A_439, %dma_start3A_453] : memref<3x8192x128xf32, #tpu.memory_space<hbm>> -> memref<1x128x128xf32, #tpu.memory_space<hbm>>
    %dma_start3A_455 = tpu.memref_squeeze %dma_start3A_454 : memref<1x128x128xf32, #tpu.memory_space<hbm>> -> memref<128x128xf32, #tpu.memory_space<hbm>>
    %dma_start3A_456 = arith.constant 0 : i32
    %dma_start3A_457 = tpu.memref_slice %arg4[%select_n3A_420, %multiple_of3A_439, %dma_start3A_456] : memref<3x8192x128xf32, #tpu.memory_space<hbm>> -> memref<1x128x128xf32, #tpu.memory_space<hbm>>
    %dma_start3A_458 = tpu.memref_squeeze %dma_start3A_457 : memref<1x128x128xf32, #tpu.memory_space<hbm>> -> memref<128x128xf32, #tpu.memory_space<hbm>>
    %dma_start3A_459 = arith.constant 640 : i32
    %dma_start3A_460 = arith.constant 0 : i32
    %dma_start3A_461 = tpu.memref_slice %arg6[%dma_start3A_459, %dma_start3A_460] : memref<768x128xf32, #tpu.memory_space<vmem>> -> memref<128x128xf32, #tpu.memory_space<vmem>>
    tpu.enqueue_dma source(%dma_start3A_461 : memref<128x128xf32, #tpu.memory_space<vmem>>) target(%dma_start3A_458 : memref<128x128xf32, #tpu.memory_space<hbm>>) target_semaphore(%arg13 : memref<!tpu.dma_semaphore, #tpu.memory_space<semaphore_mem>>)
    %dma_wait3A_462 = arith.constant 0 : i32
    %dma_wait3A_463 = arith.constant 0 : i32
    %dma_wait3A_464 = tpu.memref_slice %arg6[%dma_wait3A_462, %dma_wait3A_463] : memref<768x128xf32, #tpu.memory_space<vmem>> -> memref<128x128xf32, #tpu.memory_space<vmem>>
    %dma_wait3A_465 = arith.constant 0 : i32
    %dma_wait3A_466 = tpu.memref_slice %arg4[%select_n3A, %multiple_of3A, %dma_wait3A_465] : memref<3x8192x128xf32, #tpu.memory_space<hbm>> -> memref<1x128x128xf32, #tpu.memory_space<hbm>>
    %dma_wait3A_467 = tpu.memref_squeeze %dma_wait3A_466 : memref<1x128x128xf32, #tpu.memory_space<hbm>> -> memref<128x128xf32, #tpu.memory_space<hbm>>
    %dma_wait3A_468 = arith.constant 0 : i32
    %dma_wait3A_469 = tpu.memref_slice %arg4[%select_n3A, %multiple_of3A, %dma_wait3A_468] : memref<3x8192x128xf32, #tpu.memory_space<hbm>> -> memref<1x128x128xf32, #tpu.memory_space<hbm>>
    %dma_wait3A_470 = tpu.memref_squeeze %dma_wait3A_469 : memref<1x128x128xf32, #tpu.memory_space<hbm>> -> memref<128x128xf32, #tpu.memory_space<hbm>>
    %dma_wait3A_471 = arith.constant 0 : i32
    %dma_wait3A_472 = arith.constant 0 : i32
    %dma_wait3A_473 = tpu.memref_slice %arg6[%dma_wait3A_471, %dma_wait3A_472] : memref<768x128xf32, #tpu.memory_space<vmem>> -> memref<128x128xf32, #tpu.memory_space<vmem>>
    tpu.wait_dma2 semaphore(%arg13 : memref<!tpu.dma_semaphore, #tpu.memory_space<semaphore_mem>>) src(%dma_wait3A_473 : memref<128x128xf32, #tpu.memory_space<vmem>>) dst(%dma_wait3A_470 : memref<128x128xf32, #tpu.memory_space<hbm>>)
    %dma_wait3A_474 = arith.constant 128 : i32
    %dma_wait3A_475 = arith.constant 0 : i32
    %dma_wait3A_476 = tpu.memref_slice %arg6[%dma_wait3A_474, %dma_wait3A_475] : memref<768x128xf32, #tpu.memory_space<vmem>> -> memref<128x128xf32, #tpu.memory_space<vmem>>
    %dma_wait3A_477 = arith.constant 0 : i32
    %dma_wait3A_478 = tpu.memref_slice %arg4[%select_n3A_144, %multiple_of3A_163, %dma_wait3A_477] : memref<3x8192x128xf32, #tpu.memory_space<hbm>> -> memref<1x128x128xf32, #tpu.memory_space<hbm>>
    %dma_wait3A_479 = tpu.memref_squeeze %dma_wait3A_478 : memref<1x128x128xf32, #tpu.memory_space<hbm>> -> memref<128x128xf32, #tpu.memory_space<hbm>>
    %dma_wait3A_480 = arith.constant 0 : i32
    %dma_wait3A_481 = tpu.memref_slice %arg4[%select_n3A_144, %multiple_of3A_163, %dma_wait3A_480] : memref<3x8192x128xf32, #tpu.memory_space<hbm>> -> memref<1x128x128xf32, #tpu.memory_space<hbm>>
    %dma_wait3A_482 = tpu.memref_squeeze %dma_wait3A_481 : memref<1x128x128xf32, #tpu.memory_space<hbm>> -> memref<128x128xf32, #tpu.memory_space<hbm>>
    %dma_wait3A_483 = arith.constant 128 : i32
    %dma_wait3A_484 = arith.constant 0 : i32
    %dma_wait3A_485 = tpu.memref_slice %arg6[%dma_wait3A_483, %dma_wait3A_484] : memref<768x128xf32, #tpu.memory_space<vmem>> -> memref<128x128xf32, #tpu.memory_space<vmem>>
    tpu.wait_dma2 semaphore(%arg13 : memref<!tpu.dma_semaphore, #tpu.memory_space<semaphore_mem>>) src(%dma_wait3A_485 : memref<128x128xf32, #tpu.memory_space<vmem>>) dst(%dma_wait3A_482 : memref<128x128xf32, #tpu.memory_space<hbm>>)
    %dma_wait3A_486 = arith.constant 256 : i32
    %dma_wait3A_487 = arith.constant 0 : i32
    %dma_wait3A_488 = tpu.memref_slice %arg6[%dma_wait3A_486, %dma_wait3A_487] : memref<768x128xf32, #tpu.memory_space<vmem>> -> memref<128x128xf32, #tpu.memory_space<vmem>>
    %dma_wait3A_489 = arith.constant 0 : i32
    %dma_wait3A_490 = tpu.memref_slice %arg4[%select_n3A_213, %multiple_of3A_232, %dma_wait3A_489] : memref<3x8192x128xf32, #tpu.memory_space<hbm>> -> memref<1x128x128xf32, #tpu.memory_space<hbm>>
    %dma_wait3A_491 = tpu.memref_squeeze %dma_wait3A_490 : memref<1x128x128xf32, #tpu.memory_space<hbm>> -> memref<128x128xf32, #tpu.memory_space<hbm>>
    %dma_wait3A_492 = arith.constant 0 : i32
    %dma_wait3A_493 = tpu.memref_slice %arg4[%select_n3A_213, %multiple_of3A_232, %dma_wait3A_492] : memref<3x8192x128xf32, #tpu.memory_space<hbm>> -> memref<1x128x128xf32, #tpu.memory_space<hbm>>
    %dma_wait3A_494 = tpu.memref_squeeze %dma_wait3A_493 : memref<1x128x128xf32, #tpu.memory_space<hbm>> -> memref<128x128xf32, #tpu.memory_space<hbm>>
    %dma_wait3A_495 = arith.constant 256 : i32
    %dma_wait3A_496 = arith.constant 0 : i32
    %dma_wait3A_497 = tpu.memref_slice %arg6[%dma_wait3A_495, %dma_wait3A_496] : memref<768x128xf32, #tpu.memory_space<vmem>> -> memref<128x128xf32, #tpu.memory_space<vmem>>
    tpu.wait_dma2 semaphore(%arg13 : memref<!tpu.dma_semaphore, #tpu.memory_space<semaphore_mem>>) src(%dma_wait3A_497 : memref<128x128xf32, #tpu.memory_space<vmem>>) dst(%dma_wait3A_494 : memref<128x128xf32, #tpu.memory_space<hbm>>)
    %dma_wait3A_498 = arith.constant 384 : i32
    %dma_wait3A_499 = arith.constant 0 : i32
    %dma_wait3A_500 = tpu.memref_slice %arg6[%dma_wait3A_498, %dma_wait3A_499] : memref<768x128xf32, #tpu.memory_space<vmem>> -> memref<128x128xf32, #tpu.memory_space<vmem>>
    %dma_wait3A_501 = arith.constant 0 : i32
    %dma_wait3A_502 = tpu.memref_slice %arg4[%select_n3A_282, %multiple_of3A_301, %dma_wait3A_501] : memref<3x8192x128xf32, #tpu.memory_space<hbm>> -> memref<1x128x128xf32, #tpu.memory_space<hbm>>
    %dma_wait3A_503 = tpu.memref_squeeze %dma_wait3A_502 : memref<1x128x128xf32, #tpu.memory_space<hbm>> -> memref<128x128xf32, #tpu.memory_space<hbm>>
    %dma_wait3A_504 = arith.constant 0 : i32
    %dma_wait3A_505 = tpu.memref_slice %arg4[%select_n3A_282, %multiple_of3A_301, %dma_wait3A_504] : memref<3x8192x128xf32, #tpu.memory_space<hbm>> -> memref<1x128x128xf32, #tpu.memory_space<hbm>>
    %dma_wait3A_506 = tpu.memref_squeeze %dma_wait3A_505 : memref<1x128x128xf32, #tpu.memory_space<hbm>> -> memref<128x128xf32, #tpu.memory_space<hbm>>
    %dma_wait3A_507 = arith.constant 384 : i32
    %dma_wait3A_508 = arith.constant 0 : i32
    %dma_wait3A_509 = tpu.memref_slice %arg6[%dma_wait3A_507, %dma_wait3A_508] : memref<768x128xf32, #tpu.memory_space<vmem>> -> memref<128x128xf32, #tpu.memory_space<vmem>>
    tpu.wait_dma2 semaphore(%arg13 : memref<!tpu.dma_semaphore, #tpu.memory_space<semaphore_mem>>) src(%dma_wait3A_509 : memref<128x128xf32, #tpu.memory_space<vmem>>) dst(%dma_wait3A_506 : memref<128x128xf32, #tpu.memory_space<hbm>>)
    %dma_wait3A_510 = arith.constant 512 : i32
    %dma_wait3A_511 = arith.constant 0 : i32
    %dma_wait3A_512 = tpu.memref_slice %arg6[%dma_wait3A_510, %dma_wait3A_511] : memref<768x128xf32, #tpu.memory_space<vmem>> -> memref<128x128xf32, #tpu.memory_space<vmem>>
    %dma_wait3A_513 = arith.constant 0 : i32
    %dma_wait3A_514 = tpu.memref_slice %arg4[%select_n3A_351, %multiple_of3A_370, %dma_wait3A_513] : memref<3x8192x128xf32, #tpu.memory_space<hbm>> -> memref<1x128x128xf32, #tpu.memory_space<hbm>>
    %dma_wait3A_515 = tpu.memref_squeeze %dma_wait3A_514 : memref<1x128x128xf32, #tpu.memory_space<hbm>> -> memref<128x128xf32, #tpu.memory_space<hbm>>
    %dma_wait3A_516 = arith.constant 0 : i32
    %dma_wait3A_517 = tpu.memref_slice %arg4[%select_n3A_351, %multiple_of3A_370, %dma_wait3A_516] : memref<3x8192x128xf32, #tpu.memory_space<hbm>> -> memref<1x128x128xf32, #tpu.memory_space<hbm>>
    %dma_wait3A_518 = tpu.memref_squeeze %dma_wait3A_517 : memref<1x128x128xf32, #tpu.memory_space<hbm>> -> memref<128x128xf32, #tpu.memory_space<hbm>>
    %dma_wait3A_519 = arith.constant 512 : i32
    %dma_wait3A_520 = arith.constant 0 : i32
    %dma_wait3A_521 = tpu.memref_slice %arg6[%dma_wait3A_519, %dma_wait3A_520] : memref<768x128xf32, #tpu.memory_space<vmem>> -> memref<128x128xf32, #tpu.memory_space<vmem>>
    tpu.wait_dma2 semaphore(%arg13 : memref<!tpu.dma_semaphore, #tpu.memory_space<semaphore_mem>>) src(%dma_wait3A_521 : memref<128x128xf32, #tpu.memory_space<vmem>>) dst(%dma_wait3A_518 : memref<128x128xf32, #tpu.memory_space<hbm>>)
    %dma_wait3A_522 = arith.constant 640 : i32
    %dma_wait3A_523 = arith.constant 0 : i32
    %dma_wait3A_524 = tpu.memref_slice %arg6[%dma_wait3A_522, %dma_wait3A_523] : memref<768x128xf32, #tpu.memory_space<vmem>> -> memref<128x128xf32, #tpu.memory_space<vmem>>
    %dma_wait3A_525 = arith.constant 0 : i32
    %dma_wait3A_526 = tpu.memref_slice %arg4[%select_n3A_420, %multiple_of3A_439, %dma_wait3A_525] : memref<3x8192x128xf32, #tpu.memory_space<hbm>> -> memref<1x128x128xf32, #tpu.memory_space<hbm>>
    %dma_wait3A_527 = tpu.memref_squeeze %dma_wait3A_526 : memref<1x128x128xf32, #tpu.memory_space<hbm>> -> memref<128x128xf32, #tpu.memory_space<hbm>>
    %dma_wait3A_528 = arith.constant 0 : i32
    %dma_wait3A_529 = tpu.memref_slice %arg4[%select_n3A_420, %multiple_of3A_439, %dma_wait3A_528] : memref<3x8192x128xf32, #tpu.memory_space<hbm>> -> memref<1x128x128xf32, #tpu.memory_space<hbm>>
    %dma_wait3A_530 = tpu.memref_squeeze %dma_wait3A_529 : memref<1x128x128xf32, #tpu.memory_space<hbm>> -> memref<128x128xf32, #tpu.memory_space<hbm>>
    %dma_wait3A_531 = arith.constant 640 : i32
    %dma_wait3A_532 = arith.constant 0 : i32
    %dma_wait3A_533 = tpu.memref_slice %arg6[%dma_wait3A_531, %dma_wait3A_532] : memref<768x128xf32, #tpu.memory_space<vmem>> -> memref<128x128xf32, #tpu.memory_space<vmem>>
    tpu.wait_dma2 semaphore(%arg13 : memref<!tpu.dma_semaphore, #tpu.memory_space<semaphore_mem>>) src(%dma_wait3A_533 : memref<128x128xf32, #tpu.memory_space<vmem>>) dst(%dma_wait3A_530 : memref<128x128xf32, #tpu.memory_space<hbm>>)
    return
  }
}

module attributes {stable_mosaic.version = 14 : i64} {
  func.func @_tc_pre_body(%arg0: memref<2048x64xf32, #tpu.memory_space<vmem>>, %arg1: memref<4x64x64xf32, #tpu.memory_space<vmem>>, %arg2: memref<4x64xf32, #tpu.memory_space<vmem>>, %arg3: memref<8192x128xf32, #tpu.memory_space<vmem>>) attributes {dimension_semantics = [], scalar_prefetch = 0 : i64, scratch_operands = 0 : i64, tpu.core_type = #tpu.core_type<tc>} {
    %get3A = arith.constant 0 : index
    %get3A_0 = arith.constant 0 : index
    %get3A_1 = vector.load %arg0[%get3A, %get3A_0] : memref<2048x64xf32, #tpu.memory_space<vmem>>, vector<2048x64xf32>
    %broadcast_in_dim3A = arith.constant 0.000000e+00 : f32
    %broadcast_in_dim3A_2 = vector.broadcast %broadcast_in_dim3A : f32 to vector<2048x64xf32>
    %get3A_3 = arith.constant 0 : index
    %get3A_4 = arith.constant 0 : index
    %get3A_5 = arith.constant 0 : index
    %get3A_6 = vector.load %arg1[%get3A_3, %get3A_4, %get3A_5] : memref<4x64x64xf32, #tpu.memory_space<vmem>>, vector<1x64x64xf32>
    %get3A_7 = vector.shape_cast %get3A_6 : vector<1x64x64xf32> to vector<64x64xf32>
    %dot_general3A = arith.constant dense<0.000000e+00> : vector<2048x64xf32>
    %dot_general3A_8 = tpu.matmul %get3A_1, %get3A_7, %dot_general3A {dimension_numbers = #tpu.dot_dimension_numbers<[1], [0], [0], [1], [0, 0, 1, 1], [], []>, transpose_lhs_hint = false} : vector<2048x64xf32>, vector<64x64xf32>, vector<2048x64xf32> -> vector<2048x64xf32>
    %get3A_9 = arith.constant 0 : index
    %get3A_10 = arith.constant 0 : index
    %get3A_11 = vector.load %arg2[%get3A_9, %get3A_10] : memref<4x64xf32, #tpu.memory_space<vmem>>, vector<4x64xf32>
    %slice3A = vector.extract_strided_slice %get3A_11 {offsets = [0, 0], sizes = [1, 64], strides = [1, 1]} : vector<4x64xf32> to vector<1x64xf32>
    %add3A = vector.broadcast %slice3A : vector<1x64xf32> to vector<2048x64xf32>
    %add3A_12 = arith.addf %dot_general3A_8, %add3A : vector<2048x64xf32>
    %max3A = arith.constant 0.000000e+00 : f32
    %max3A_13 = vector.broadcast %max3A : f32 to vector<2048x64xf32>
    %max3A_14 = arith.maximumf %add3A_12, %max3A_13 : vector<2048x64xf32>
    %concatenate3A = tpu.concatenate %max3A_14, %broadcast_in_dim3A_2 in 1 : vector<2048x64xf32>, vector<2048x64xf32> -> vector<2048x128xf32>
    %swap3A = arith.constant 0 : index
    %swap3A_15 = arith.constant 0 : index
    %swap3A_16 = vector.load %arg3[%swap3A, %swap3A_15] : memref<8192x128xf32, #tpu.memory_space<vmem>>, vector<2048x128xf32>
    tpu.vector_store %arg3[%swap3A, %swap3A_15], %concatenate3A {strides = array<i32>} : memref<8192x128xf32, #tpu.memory_space<vmem>>, vector<2048x128xf32>,
    %get3A_17 = arith.constant 1 : index
    %get3A_18 = arith.constant 0 : index
    %get3A_19 = arith.constant 0 : index
    %get3A_20 = vector.load %arg1[%get3A_17, %get3A_18, %get3A_19] : memref<4x64x64xf32, #tpu.memory_space<vmem>>, vector<1x64x64xf32>
    %get3A_21 = vector.shape_cast %get3A_20 : vector<1x64x64xf32> to vector<64x64xf32>
    %dot_general3A_22 = arith.constant dense<0.000000e+00> : vector<2048x64xf32>
    %dot_general3A_23 = tpu.matmul %get3A_1, %get3A_21, %dot_general3A_22 {dimension_numbers = #tpu.dot_dimension_numbers<[1], [0], [0], [1], [0, 0, 1, 1], [], []>, transpose_lhs_hint = false} : vector<2048x64xf32>, vector<64x64xf32>, vector<2048x64xf32> -> vector<2048x64xf32>
    %get3A_24 = arith.constant 0 : index
    %get3A_25 = arith.constant 0 : index
    %get3A_26 = vector.load %arg2[%get3A_24, %get3A_25] : memref<4x64xf32, #tpu.memory_space<vmem>>, vector<4x64xf32>
    %slice3A_27 = vector.extract_strided_slice %get3A_26 {offsets = [1, 0], sizes = [1, 64], strides = [1, 1]} : vector<4x64xf32> to vector<1x64xf32>
    %add3A_28 = vector.broadcast %slice3A_27 : vector<1x64xf32> to vector<2048x64xf32>
    %add3A_29 = arith.addf %dot_general3A_23, %add3A_28 : vector<2048x64xf32>
    %max3A_30 = arith.constant 0.000000e+00 : f32
    %max3A_31 = vector.broadcast %max3A_30 : f32 to vector<2048x64xf32>
    %max3A_32 = arith.maximumf %add3A_29, %max3A_31 : vector<2048x64xf32>
    %concatenate3A_33 = tpu.concatenate %max3A_32, %broadcast_in_dim3A_2 in 1 : vector<2048x64xf32>, vector<2048x64xf32> -> vector<2048x128xf32>
    %swap3A_34 = arith.constant 2048 : index
    %swap3A_35 = arith.constant 0 : index
    %swap3A_36 = vector.load %arg3[%swap3A_34, %swap3A_35] : memref<8192x128xf32, #tpu.memory_space<vmem>>, vector<2048x128xf32>
    tpu.vector_store %arg3[%swap3A_34, %swap3A_35], %concatenate3A_33 {strides = array<i32>} : memref<8192x128xf32, #tpu.memory_space<vmem>>, vector<2048x128xf32>,
    %get3A_37 = arith.constant 2 : index
    %get3A_38 = arith.constant 0 : index
    %get3A_39 = arith.constant 0 : index
    %get3A_40 = vector.load %arg1[%get3A_37, %get3A_38, %get3A_39] : memref<4x64x64xf32, #tpu.memory_space<vmem>>, vector<1x64x64xf32>
    %get3A_41 = vector.shape_cast %get3A_40 : vector<1x64x64xf32> to vector<64x64xf32>
    %dot_general3A_42 = arith.constant dense<0.000000e+00> : vector<2048x64xf32>
    %dot_general3A_43 = tpu.matmul %get3A_1, %get3A_41, %dot_general3A_42 {dimension_numbers = #tpu.dot_dimension_numbers<[1], [0], [0], [1], [0, 0, 1, 1], [], []>, transpose_lhs_hint = false} : vector<2048x64xf32>, vector<64x64xf32>, vector<2048x64xf32> -> vector<2048x64xf32>
    %get3A_44 = arith.constant 0 : index
    %get3A_45 = arith.constant 0 : index
    %get3A_46 = vector.load %arg2[%get3A_44, %get3A_45] : memref<4x64xf32, #tpu.memory_space<vmem>>, vector<4x64xf32>
    %slice3A_47 = vector.extract_strided_slice %get3A_46 {offsets = [2, 0], sizes = [1, 64], strides = [1, 1]} : vector<4x64xf32> to vector<1x64xf32>
    %add3A_48 = vector.broadcast %slice3A_47 : vector<1x64xf32> to vector<2048x64xf32>
    %add3A_49 = arith.addf %dot_general3A_43, %add3A_48 : vector<2048x64xf32>
    %max3A_50 = arith.constant 0.000000e+00 : f32
    %max3A_51 = vector.broadcast %max3A_50 : f32 to vector<2048x64xf32>
    %max3A_52 = arith.maximumf %add3A_49, %max3A_51 : vector<2048x64xf32>
    %concatenate3A_53 = tpu.concatenate %max3A_52, %broadcast_in_dim3A_2 in 1 : vector<2048x64xf32>, vector<2048x64xf32> -> vector<2048x128xf32>
    %swap3A_54 = arith.constant 4096 : index
    %swap3A_55 = arith.constant 0 : index
    %swap3A_56 = vector.load %arg3[%swap3A_54, %swap3A_55] : memref<8192x128xf32, #tpu.memory_space<vmem>>, vector<2048x128xf32>
    tpu.vector_store %arg3[%swap3A_54, %swap3A_55], %concatenate3A_53 {strides = array<i32>} : memref<8192x128xf32, #tpu.memory_space<vmem>>, vector<2048x128xf32>,
    %get3A_57 = arith.constant 3 : index
    %get3A_58 = arith.constant 0 : index
    %get3A_59 = arith.constant 0 : index
    %get3A_60 = vector.load %arg1[%get3A_57, %get3A_58, %get3A_59] : memref<4x64x64xf32, #tpu.memory_space<vmem>>, vector<1x64x64xf32>
    %get3A_61 = vector.shape_cast %get3A_60 : vector<1x64x64xf32> to vector<64x64xf32>
    %dot_general3A_62 = arith.constant dense<0.000000e+00> : vector<2048x64xf32>
    %dot_general3A_63 = tpu.matmul %get3A_1, %get3A_61, %dot_general3A_62 {dimension_numbers = #tpu.dot_dimension_numbers<[1], [0], [0], [1], [0, 0, 1, 1], [], []>, transpose_lhs_hint = false} : vector<2048x64xf32>, vector<64x64xf32>, vector<2048x64xf32> -> vector<2048x64xf32>
    %get3A_64 = arith.constant 0 : index
    %get3A_65 = arith.constant 0 : index
    %get3A_66 = vector.load %arg2[%get3A_64, %get3A_65] : memref<4x64xf32, #tpu.memory_space<vmem>>, vector<4x64xf32>
    %slice3A_67 = vector.extract_strided_slice %get3A_66 {offsets = [3, 0], sizes = [1, 64], strides = [1, 1]} : vector<4x64xf32> to vector<1x64xf32>
    %add3A_68 = vector.broadcast %slice3A_67 : vector<1x64xf32> to vector<2048x64xf32>
    %add3A_69 = arith.addf %dot_general3A_63, %add3A_68 : vector<2048x64xf32>
    %max3A_70 = arith.constant 0.000000e+00 : f32
    %max3A_71 = vector.broadcast %max3A_70 : f32 to vector<2048x64xf32>
    %max3A_72 = arith.maximumf %add3A_69, %max3A_71 : vector<2048x64xf32>
    %concatenate3A_73 = tpu.concatenate %max3A_72, %broadcast_in_dim3A_2 in 1 : vector<2048x64xf32>, vector<2048x64xf32> -> vector<2048x128xf32>
    %swap3A_74 = arith.constant 6144 : index
    %swap3A_75 = arith.constant 0 : index
    %swap3A_76 = vector.load %arg3[%swap3A_74, %swap3A_75] : memref<8192x128xf32, #tpu.memory_space<vmem>>, vector<2048x128xf32>
    tpu.vector_store %arg3[%swap3A_74, %swap3A_75], %concatenate3A_73 {strides = array<i32>} : memref<8192x128xf32, #tpu.memory_space<vmem>>, vector<2048x128xf32>,
    return
  }
}

module attributes {stable_mosaic.version = 14 : i64} {
  func.func @_tc_dense_body(%arg0: i32, %arg1: memref<3x2048x128xf32, #tpu.memory_space<vmem>>, %arg2: memref<2048x3xi32, #tpu.memory_space<vmem>>, %arg3: memref<3x256x64xf32, #tpu.memory_space<vmem>>, %arg4: memref<3x4x64xf32, #tpu.memory_space<vmem>>, %arg5: memref<3x2048x128xf32, #tpu.memory_space<vmem>>) attributes {dimension_semantics = [#tpu.dimension_semantics<arbitrary>], iteration_bounds = array<i64: 4>, scalar_prefetch = 0 : i64, scratch_operands = 0 : i64, tpu.core_type = #tpu.core_type<tc>, window_params = [{transform_indices = @transform_0, window_bounds = array<i64: 3, 2048, 128>}, {transform_indices = @transform_1, window_bounds = array<i64: 2048, 3>}, {pipeline_mode = #tpu.pipeline_mode<synchronous>, transform_indices = @transform_2, window_bounds = array<i64: 3, 256, 64>}, {pipeline_mode = #tpu.pipeline_mode<synchronous>, transform_indices = @transform_3, window_bounds = array<i64: 3, 4, 64>}, {transform_indices = @transform_4, window_bounds = array<i64: 3, 2048, 128>}]} {
    %get3A = arith.constant 0 : index
    %get3A_0 = arith.constant 0 : index
    %get3A_1 = vector.load %arg2[%get3A, %get3A_0] : memref<2048x3xi32, #tpu.memory_space<vmem>>, vector<2048x3xi32>
    %slice3A = vector.extract_strided_slice %get3A_1 {offsets = [0, 0], sizes = [2048, 1], strides = [1, 1]} : vector<2048x3xi32> to vector<2048x1xi32>
    %eq3A = arith.constant 0 : i32
    %eq3A_2 = vector.broadcast %eq3A : i32 to vector<2048x1xi32>
    %eq3A_3 = arith.cmpi eq, %slice3A, %eq3A_2 : vector<2048x1xi32>
    %eq3A_4 = arith.constant 1 : i32
    %eq3A_5 = vector.broadcast %eq3A_4 : i32 to vector<2048x1xi32>
    %eq3A_6 = arith.cmpi eq, %slice3A, %eq3A_5 : vector<2048x1xi32>
    %eq3A_7 = arith.constant 2 : i32
    %eq3A_8 = vector.broadcast %eq3A_7 : i32 to vector<2048x1xi32>
    %eq3A_9 = arith.cmpi eq, %slice3A, %eq3A_8 : vector<2048x1xi32>
    %slice3A_10 = vector.extract_strided_slice %get3A_1 {offsets = [0, 1], sizes = [2048, 1], strides = [1, 1]} : vector<2048x3xi32> to vector<2048x1xi32>
    %eq3A_11 = arith.constant 0 : i32
    %eq3A_12 = vector.broadcast %eq3A_11 : i32 to vector<2048x1xi32>
    %eq3A_13 = arith.cmpi eq, %slice3A_10, %eq3A_12 : vector<2048x1xi32>
    %eq3A_14 = arith.constant 1 : i32
    %eq3A_15 = vector.broadcast %eq3A_14 : i32 to vector<2048x1xi32>
    %eq3A_16 = arith.cmpi eq, %slice3A_10, %eq3A_15 : vector<2048x1xi32>
    %eq3A_17 = arith.constant 2 : i32
    %eq3A_18 = vector.broadcast %eq3A_17 : i32 to vector<2048x1xi32>
    %eq3A_19 = arith.cmpi eq, %slice3A_10, %eq3A_18 : vector<2048x1xi32>
    %slice3A_20 = vector.extract_strided_slice %get3A_1 {offsets = [0, 2], sizes = [2048, 1], strides = [1, 1]} : vector<2048x3xi32> to vector<2048x1xi32>
    %eq3A_21 = arith.constant 0 : i32
    %eq3A_22 = vector.broadcast %eq3A_21 : i32 to vector<2048x1xi32>
    %eq3A_23 = arith.cmpi eq, %slice3A_20, %eq3A_22 : vector<2048x1xi32>
    %eq3A_24 = arith.constant 1 : i32
    %eq3A_25 = vector.broadcast %eq3A_24 : i32 to vector<2048x1xi32>
    %eq3A_26 = arith.cmpi eq, %slice3A_20, %eq3A_25 : vector<2048x1xi32>
    %eq3A_27 = arith.constant 2 : i32
    %eq3A_28 = vector.broadcast %eq3A_27 : i32 to vector<2048x1xi32>
    %eq3A_29 = arith.cmpi eq, %slice3A_20, %eq3A_28 : vector<2048x1xi32>
    %get3A_30 = arith.constant 0 : index
    %get3A_31 = arith.constant 0 : index
    %get3A_32 = arith.constant 0 : index
    %get3A_33 = vector.load %arg1[%get3A_30, %get3A_31, %get3A_32] : memref<3x2048x128xf32, #tpu.memory_space<vmem>>, vector<1x2048x128xf32>
    %get3A_34 = vector.shape_cast %get3A_33 : vector<1x2048x128xf32> to vector<2048x128xf32>
    %slice3A_35 = vector.extract_strided_slice %get3A_34 {offsets = [0, 0], sizes = [2048, 64], strides = [1, 1]} : vector<2048x128xf32> to vector<2048x64xf32>
    %get3A_36 = arith.constant 1 : index
    %get3A_37 = arith.constant 0 : index
    %get3A_38 = arith.constant 0 : index
    %get3A_39 = vector.load %arg1[%get3A_36, %get3A_37, %get3A_38] : memref<3x2048x128xf32, #tpu.memory_space<vmem>>, vector<1x2048x128xf32>
    %get3A_40 = vector.shape_cast %get3A_39 : vector<1x2048x128xf32> to vector<2048x128xf32>
    %slice3A_41 = vector.extract_strided_slice %get3A_40 {offsets = [0, 0], sizes = [2048, 64], strides = [1, 1]} : vector<2048x128xf32> to vector<2048x64xf32>
    %get3A_42 = arith.constant 2 : index
    %get3A_43 = arith.constant 0 : index
    %get3A_44 = arith.constant 0 : index
    %get3A_45 = vector.load %arg1[%get3A_42, %get3A_43, %get3A_44] : memref<3x2048x128xf32, #tpu.memory_space<vmem>>, vector<1x2048x128xf32>
    %get3A_46 = vector.shape_cast %get3A_45 : vector<1x2048x128xf32> to vector<2048x128xf32>
    %slice3A_47 = vector.extract_strided_slice %get3A_46 {offsets = [0, 0], sizes = [2048, 64], strides = [1, 1]} : vector<2048x128xf32> to vector<2048x64xf32>
    %mul3A = arith.mulf %slice3A_41, %slice3A_47 : vector<2048x64xf32>
    %mul3A_48 = arith.mulf %slice3A_35, %slice3A_47 : vector<2048x64xf32>
    %mul3A_49 = arith.mulf %slice3A_35, %slice3A_41 : vector<2048x64xf32>
    %broadcast_in_dim3A = arith.constant 0.000000e+00 : f32
    %broadcast_in_dim3A_50 = vector.broadcast %broadcast_in_dim3A : f32 to vector<2048x64xf32>
    %get3A_51 = arith.constant 0 : index
    %get3A_52 = arith.constant 0 : index
    %get3A_53 = arith.constant 0 : index
    %get3A_54 = vector.load %arg3[%get3A_51, %get3A_52, %get3A_53] : memref<3x256x64xf32, #tpu.memory_space<vmem>>, vector<1x256x64xf32>
    %get3A_55 = vector.shape_cast %get3A_54 : vector<1x256x64xf32> to vector<256x64xf32>
    %get3A_56 = arith.constant 0 : index
    %get3A_57 = arith.constant 0 : index
    %get3A_58 = arith.constant 0 : index
    %get3A_59 = vector.load %arg4[%get3A_56, %get3A_57, %get3A_58] : memref<3x4x64xf32, #tpu.memory_space<vmem>>, vector<1x4x64xf32>
    %get3A_60 = vector.shape_cast %get3A_59 : vector<1x4x64xf32> to vector<4x64xf32>
    %slice3A_61 = vector.extract_strided_slice %get3A_55 {offsets = [0, 0], sizes = [64, 64], strides = [1, 1]} : vector<256x64xf32> to vector<64x64xf32>
    %dot_general3A = arith.constant dense<0.000000e+00> : vector<2048x64xf32>
    %dot_general3A_62 = tpu.matmul %mul3A, %slice3A_61, %dot_general3A {dimension_numbers = #tpu.dot_dimension_numbers<[1], [0], [0], [1], [0, 0, 1, 1], [], []>, transpose_lhs_hint = false} : vector<2048x64xf32>, vector<64x64xf32>, vector<2048x64xf32> -> vector<2048x64xf32>
    %slice3A_63 = vector.extract_strided_slice %get3A_60 {offsets = [0, 0], sizes = [1, 64], strides = [1, 1]} : vector<4x64xf32> to vector<1x64xf32>
    %add3A = vector.broadcast %slice3A_63 : vector<1x64xf32> to vector<2048x64xf32>
    %add3A_64 = arith.addf %dot_general3A_62, %add3A : vector<2048x64xf32>
    %slice3A_65 = vector.extract_strided_slice %get3A_55 {offsets = [64, 0], sizes = [64, 64], strides = [1, 1]} : vector<256x64xf32> to vector<64x64xf32>
    %dot_general3A_66 = arith.constant dense<0.000000e+00> : vector<2048x64xf32>
    %dot_general3A_67 = tpu.matmul %mul3A, %slice3A_65, %dot_general3A_66 {dimension_numbers = #tpu.dot_dimension_numbers<[1], [0], [0], [1], [0, 0, 1, 1], [], []>, transpose_lhs_hint = false} : vector<2048x64xf32>, vector<64x64xf32>, vector<2048x64xf32> -> vector<2048x64xf32>
    %slice3A_68 = vector.extract_strided_slice %get3A_60 {offsets = [1, 0], sizes = [1, 64], strides = [1, 1]} : vector<4x64xf32> to vector<1x64xf32>
    %add3A_69 = vector.broadcast %slice3A_68 : vector<1x64xf32> to vector<2048x64xf32>
    %add3A_70 = arith.addf %dot_general3A_67, %add3A_69 : vector<2048x64xf32>
    %slice3A_71 = vector.extract_strided_slice %get3A_55 {offsets = [128, 0], sizes = [64, 64], strides = [1, 1]} : vector<256x64xf32> to vector<64x64xf32>
    %dot_general3A_72 = arith.constant dense<0.000000e+00> : vector<2048x64xf32>
    %dot_general3A_73 = tpu.matmul %mul3A, %slice3A_71, %dot_general3A_72 {dimension_numbers = #tpu.dot_dimension_numbers<[1], [0], [0], [1], [0, 0, 1, 1], [], []>, transpose_lhs_hint = false} : vector<2048x64xf32>, vector<64x64xf32>, vector<2048x64xf32> -> vector<2048x64xf32>
    %slice3A_74 = vector.extract_strided_slice %get3A_60 {offsets = [2, 0], sizes = [1, 64], strides = [1, 1]} : vector<4x64xf32> to vector<1x64xf32>
    %add3A_75 = vector.broadcast %slice3A_74 : vector<1x64xf32> to vector<2048x64xf32>
    %add3A_76 = arith.addf %dot_general3A_73, %add3A_75 : vector<2048x64xf32>
    %slice3A_77 = vector.extract_strided_slice %get3A_55 {offsets = [192, 0], sizes = [64, 64], strides = [1, 1]} : vector<256x64xf32> to vector<64x64xf32>
    %dot_general3A_78 = arith.constant dense<0.000000e+00> : vector<2048x64xf32>
    %dot_general3A_79 = tpu.matmul %mul3A, %slice3A_77, %dot_general3A_78 {dimension_numbers = #tpu.dot_dimension_numbers<[1], [0], [0], [1], [0, 0, 1, 1], [], []>, transpose_lhs_hint = false} : vector<2048x64xf32>, vector<64x64xf32>, vector<2048x64xf32> -> vector<2048x64xf32>
    %slice3A_80 = vector.extract_strided_slice %get3A_60 {offsets = [3, 0], sizes = [1, 64], strides = [1, 1]} : vector<4x64xf32> to vector<1x64xf32>
    %add3A_81 = vector.broadcast %slice3A_80 : vector<1x64xf32> to vector<2048x64xf32>
    %add3A_82 = arith.addf %dot_general3A_79, %add3A_81 : vector<2048x64xf32>
    %broadcast_in_dim3A_83 = vector.shape_cast %eq3A_9 : vector<2048x1xi1> to vector<2048x1xi1>
    %broadcast_in_dim3A_84 = vector.broadcast %broadcast_in_dim3A_83 : vector<2048x1xi1> to vector<2048x64xi1>
    %select_n3A = arith.select %broadcast_in_dim3A_84, %add3A_76, %add3A_82 : vector<2048x64xi1>, vector<2048x64xf32>
    %broadcast_in_dim3A_85 = vector.shape_cast %eq3A_6 : vector<2048x1xi1> to vector<2048x1xi1>
    %broadcast_in_dim3A_86 = vector.broadcast %broadcast_in_dim3A_85 : vector<2048x1xi1> to vector<2048x64xi1>
    %select_n3A_87 = arith.select %broadcast_in_dim3A_86, %add3A_70, %select_n3A : vector<2048x64xi1>, vector<2048x64xf32>
    %broadcast_in_dim3A_88 = vector.shape_cast %eq3A_3 : vector<2048x1xi1> to vector<2048x1xi1>
    %broadcast_in_dim3A_89 = vector.broadcast %broadcast_in_dim3A_88 : vector<2048x1xi1> to vector<2048x64xi1>
    %select_n3A_90 = arith.select %broadcast_in_dim3A_89, %add3A_64, %select_n3A_87 : vector<2048x64xi1>, vector<2048x64xf32>
    %concatenate3A = tpu.concatenate %select_n3A_90, %broadcast_in_dim3A_50 in 1 : vector<2048x64xf32>, vector<2048x64xf32> -> vector<2048x128xf32>
    %swap3A = arith.constant 0 : index
    %swap3A_91 = arith.constant 0 : index
    %swap3A_92 = arith.constant 0 : index
    %swap3A_93 = vector.load %arg5[%swap3A, %swap3A_91, %swap3A_92] : memref<3x2048x128xf32, #tpu.memory_space<vmem>>, vector<1x2048x128xf32>
    %swap3A_94 = vector.shape_cast %swap3A_93 : vector<1x2048x128xf32> to vector<2048x128xf32>
    %swap3A_95 = vector.shape_cast %concatenate3A : vector<2048x128xf32> to vector<1x2048x128xf32>
    tpu.vector_store %arg5[%swap3A, %swap3A_91, %swap3A_92], %swap3A_95 {strides = array<i32>} : memref<3x2048x128xf32, #tpu.memory_space<vmem>>, vector<1x2048x128xf32>,
    %get3A_96 = arith.constant 1 : index
    %get3A_97 = arith.constant 0 : index
    %get3A_98 = arith.constant 0 : index
    %get3A_99 = vector.load %arg3[%get3A_96, %get3A_97, %get3A_98] : memref<3x256x64xf32, #tpu.memory_space<vmem>>, vector<1x256x64xf32>
    %get3A_100 = vector.shape_cast %get3A_99 : vector<1x256x64xf32> to vector<256x64xf32>
    %get3A_101 = arith.constant 1 : index
    %get3A_102 = arith.constant 0 : index
    %get3A_103 = arith.constant 0 : index
    %get3A_104 = vector.load %arg4[%get3A_101, %get3A_102, %get3A_103] : memref<3x4x64xf32, #tpu.memory_space<vmem>>, vector<1x4x64xf32>
    %get3A_105 = vector.shape_cast %get3A_104 : vector<1x4x64xf32> to vector<4x64xf32>
    %slice3A_106 = vector.extract_strided_slice %get3A_100 {offsets = [0, 0], sizes = [64, 64], strides = [1, 1]} : vector<256x64xf32> to vector<64x64xf32>
    %dot_general3A_107 = arith.constant dense<0.000000e+00> : vector<2048x64xf32>
    %dot_general3A_108 = tpu.matmul %mul3A_48, %slice3A_106, %dot_general3A_107 {dimension_numbers = #tpu.dot_dimension_numbers<[1], [0], [0], [1], [0, 0, 1, 1], [], []>, transpose_lhs_hint = false} : vector<2048x64xf32>, vector<64x64xf32>, vector<2048x64xf32> -> vector<2048x64xf32>
    %slice3A_109 = vector.extract_strided_slice %get3A_105 {offsets = [0, 0], sizes = [1, 64], strides = [1, 1]} : vector<4x64xf32> to vector<1x64xf32>
    %add3A_110 = vector.broadcast %slice3A_109 : vector<1x64xf32> to vector<2048x64xf32>
    %add3A_111 = arith.addf %dot_general3A_108, %add3A_110 : vector<2048x64xf32>
    %slice3A_112 = vector.extract_strided_slice %get3A_100 {offsets = [64, 0], sizes = [64, 64], strides = [1, 1]} : vector<256x64xf32> to vector<64x64xf32>
    %dot_general3A_113 = arith.constant dense<0.000000e+00> : vector<2048x64xf32>
    %dot_general3A_114 = tpu.matmul %mul3A_48, %slice3A_112, %dot_general3A_113 {dimension_numbers = #tpu.dot_dimension_numbers<[1], [0], [0], [1], [0, 0, 1, 1], [], []>, transpose_lhs_hint = false} : vector<2048x64xf32>, vector<64x64xf32>, vector<2048x64xf32> -> vector<2048x64xf32>
    %slice3A_115 = vector.extract_strided_slice %get3A_105 {offsets = [1, 0], sizes = [1, 64], strides = [1, 1]} : vector<4x64xf32> to vector<1x64xf32>
    %add3A_116 = vector.broadcast %slice3A_115 : vector<1x64xf32> to vector<2048x64xf32>
    %add3A_117 = arith.addf %dot_general3A_114, %add3A_116 : vector<2048x64xf32>
    %slice3A_118 = vector.extract_strided_slice %get3A_100 {offsets = [128, 0], sizes = [64, 64], strides = [1, 1]} : vector<256x64xf32> to vector<64x64xf32>
    %dot_general3A_119 = arith.constant dense<0.000000e+00> : vector<2048x64xf32>
    %dot_general3A_120 = tpu.matmul %mul3A_48, %slice3A_118, %dot_general3A_119 {dimension_numbers = #tpu.dot_dimension_numbers<[1], [0], [0], [1], [0, 0, 1, 1], [], []>, transpose_lhs_hint = false} : vector<2048x64xf32>, vector<64x64xf32>, vector<2048x64xf32> -> vector<2048x64xf32>
    %slice3A_121 = vector.extract_strided_slice %get3A_105 {offsets = [2, 0], sizes = [1, 64], strides = [1, 1]} : vector<4x64xf32> to vector<1x64xf32>
    %add3A_122 = vector.broadcast %slice3A_121 : vector<1x64xf32> to vector<2048x64xf32>
    %add3A_123 = arith.addf %dot_general3A_120, %add3A_122 : vector<2048x64xf32>
    %slice3A_124 = vector.extract_strided_slice %get3A_100 {offsets = [192, 0], sizes = [64, 64], strides = [1, 1]} : vector<256x64xf32> to vector<64x64xf32>
    %dot_general3A_125 = arith.constant dense<0.000000e+00> : vector<2048x64xf32>
    %dot_general3A_126 = tpu.matmul %mul3A_48, %slice3A_124, %dot_general3A_125 {dimension_numbers = #tpu.dot_dimension_numbers<[1], [0], [0], [1], [0, 0, 1, 1], [], []>, transpose_lhs_hint = false} : vector<2048x64xf32>, vector<64x64xf32>, vector<2048x64xf32> -> vector<2048x64xf32>
    %slice3A_127 = vector.extract_strided_slice %get3A_105 {offsets = [3, 0], sizes = [1, 64], strides = [1, 1]} : vector<4x64xf32> to vector<1x64xf32>
    %add3A_128 = vector.broadcast %slice3A_127 : vector<1x64xf32> to vector<2048x64xf32>
    %add3A_129 = arith.addf %dot_general3A_126, %add3A_128 : vector<2048x64xf32>
    %broadcast_in_dim3A_130 = vector.shape_cast %eq3A_19 : vector<2048x1xi1> to vector<2048x1xi1>
    %broadcast_in_dim3A_131 = vector.broadcast %broadcast_in_dim3A_130 : vector<2048x1xi1> to vector<2048x64xi1>
    %select_n3A_132 = arith.select %broadcast_in_dim3A_131, %add3A_123, %add3A_129 : vector<2048x64xi1>, vector<2048x64xf32>
    %broadcast_in_dim3A_133 = vector.shape_cast %eq3A_16 : vector<2048x1xi1> to vector<2048x1xi1>
    %broadcast_in_dim3A_134 = vector.broadcast %broadcast_in_dim3A_133 : vector<2048x1xi1> to vector<2048x64xi1>
    %select_n3A_135 = arith.select %broadcast_in_dim3A_134, %add3A_117, %select_n3A_132 : vector<2048x64xi1>, vector<2048x64xf32>
    %broadcast_in_dim3A_136 = vector.shape_cast %eq3A_13 : vector<2048x1xi1> to vector<2048x1xi1>
    %broadcast_in_dim3A_137 = vector.broadcast %broadcast_in_dim3A_136 : vector<2048x1xi1> to vector<2048x64xi1>
    %select_n3A_138 = arith.select %broadcast_in_dim3A_137, %add3A_111, %select_n3A_135 : vector<2048x64xi1>, vector<2048x64xf32>
    %concatenate3A_139 = tpu.concatenate %select_n3A_138, %broadcast_in_dim3A_50 in 1 : vector<2048x64xf32>, vector<2048x64xf32> -> vector<2048x128xf32>
    %swap3A_140 = arith.constant 1 : index
    %swap3A_141 = arith.constant 0 : index
    %swap3A_142 = arith.constant 0 : index
    %swap3A_143 = vector.load %arg5[%swap3A_140, %swap3A_141, %swap3A_142] : memref<3x2048x128xf32, #tpu.memory_space<vmem>>, vector<1x2048x128xf32>
    %swap3A_144 = vector.shape_cast %swap3A_143 : vector<1x2048x128xf32> to vector<2048x128xf32>
    %swap3A_145 = vector.shape_cast %concatenate3A_139 : vector<2048x128xf32> to vector<1x2048x128xf32>
    tpu.vector_store %arg5[%swap3A_140, %swap3A_141, %swap3A_142], %swap3A_145 {strides = array<i32>} : memref<3x2048x128xf32, #tpu.memory_space<vmem>>, vector<1x2048x128xf32>,
    %get3A_146 = arith.constant 2 : index
    %get3A_147 = arith.constant 0 : index
    %get3A_148 = arith.constant 0 : index
    %get3A_149 = vector.load %arg3[%get3A_146, %get3A_147, %get3A_148] : memref<3x256x64xf32, #tpu.memory_space<vmem>>, vector<1x256x64xf32>
    %get3A_150 = vector.shape_cast %get3A_149 : vector<1x256x64xf32> to vector<256x64xf32>
    %get3A_151 = arith.constant 2 : index
    %get3A_152 = arith.constant 0 : index
    %get3A_153 = arith.constant 0 : index
    %get3A_154 = vector.load %arg4[%get3A_151, %get3A_152, %get3A_153] : memref<3x4x64xf32, #tpu.memory_space<vmem>>, vector<1x4x64xf32>
    %get3A_155 = vector.shape_cast %get3A_154 : vector<1x4x64xf32> to vector<4x64xf32>
    %slice3A_156 = vector.extract_strided_slice %get3A_150 {offsets = [0, 0], sizes = [64, 64], strides = [1, 1]} : vector<256x64xf32> to vector<64x64xf32>
    %dot_general3A_157 = arith.constant dense<0.000000e+00> : vector<2048x64xf32>
    %dot_general3A_158 = tpu.matmul %mul3A_49, %slice3A_156, %dot_general3A_157 {dimension_numbers = #tpu.dot_dimension_numbers<[1], [0], [0], [1], [0, 0, 1, 1], [], []>, transpose_lhs_hint = false} : vector<2048x64xf32>, vector<64x64xf32>, vector<2048x64xf32> -> vector<2048x64xf32>
    %slice3A_159 = vector.extract_strided_slice %get3A_155 {offsets = [0, 0], sizes = [1, 64], strides = [1, 1]} : vector<4x64xf32> to vector<1x64xf32>
    %add3A_160 = vector.broadcast %slice3A_159 : vector<1x64xf32> to vector<2048x64xf32>
    %add3A_161 = arith.addf %dot_general3A_158, %add3A_160 : vector<2048x64xf32>
    %slice3A_162 = vector.extract_strided_slice %get3A_150 {offsets = [64, 0], sizes = [64, 64], strides = [1, 1]} : vector<256x64xf32> to vector<64x64xf32>
    %dot_general3A_163 = arith.constant dense<0.000000e+00> : vector<2048x64xf32>
    %dot_general3A_164 = tpu.matmul %mul3A_49, %slice3A_162, %dot_general3A_163 {dimension_numbers = #tpu.dot_dimension_numbers<[1], [0], [0], [1], [0, 0, 1, 1], [], []>, transpose_lhs_hint = false} : vector<2048x64xf32>, vector<64x64xf32>, vector<2048x64xf32> -> vector<2048x64xf32>
    %slice3A_165 = vector.extract_strided_slice %get3A_155 {offsets = [1, 0], sizes = [1, 64], strides = [1, 1]} : vector<4x64xf32> to vector<1x64xf32>
    %add3A_166 = vector.broadcast %slice3A_165 : vector<1x64xf32> to vector<2048x64xf32>
    %add3A_167 = arith.addf %dot_general3A_164, %add3A_166 : vector<2048x64xf32>
    %slice3A_168 = vector.extract_strided_slice %get3A_150 {offsets = [128, 0], sizes = [64, 64], strides = [1, 1]} : vector<256x64xf32> to vector<64x64xf32>
    %dot_general3A_169 = arith.constant dense<0.000000e+00> : vector<2048x64xf32>
    %dot_general3A_170 = tpu.matmul %mul3A_49, %slice3A_168, %dot_general3A_169 {dimension_numbers = #tpu.dot_dimension_numbers<[1], [0], [0], [1], [0, 0, 1, 1], [], []>, transpose_lhs_hint = false} : vector<2048x64xf32>, vector<64x64xf32>, vector<2048x64xf32> -> vector<2048x64xf32>
    %slice3A_171 = vector.extract_strided_slice %get3A_155 {offsets = [2, 0], sizes = [1, 64], strides = [1, 1]} : vector<4x64xf32> to vector<1x64xf32>
    %add3A_172 = vector.broadcast %slice3A_171 : vector<1x64xf32> to vector<2048x64xf32>
    %add3A_173 = arith.addf %dot_general3A_170, %add3A_172 : vector<2048x64xf32>
    %slice3A_174 = vector.extract_strided_slice %get3A_150 {offsets = [192, 0], sizes = [64, 64], strides = [1, 1]} : vector<256x64xf32> to vector<64x64xf32>
    %dot_general3A_175 = arith.constant dense<0.000000e+00> : vector<2048x64xf32>
    %dot_general3A_176 = tpu.matmul %mul3A_49, %slice3A_174, %dot_general3A_175 {dimension_numbers = #tpu.dot_dimension_numbers<[1], [0], [0], [1], [0, 0, 1, 1], [], []>, transpose_lhs_hint = false} : vector<2048x64xf32>, vector<64x64xf32>, vector<2048x64xf32> -> vector<2048x64xf32>
    %slice3A_177 = vector.extract_strided_slice %get3A_155 {offsets = [3, 0], sizes = [1, 64], strides = [1, 1]} : vector<4x64xf32> to vector<1x64xf32>
    %add3A_178 = vector.broadcast %slice3A_177 : vector<1x64xf32> to vector<2048x64xf32>
    %add3A_179 = arith.addf %dot_general3A_176, %add3A_178 : vector<2048x64xf32>
    %broadcast_in_dim3A_180 = vector.shape_cast %eq3A_29 : vector<2048x1xi1> to vector<2048x1xi1>
    %broadcast_in_dim3A_181 = vector.broadcast %broadcast_in_dim3A_180 : vector<2048x1xi1> to vector<2048x64xi1>
    %select_n3A_182 = arith.select %broadcast_in_dim3A_181, %add3A_173, %add3A_179 : vector<2048x64xi1>, vector<2048x64xf32>
    %broadcast_in_dim3A_183 = vector.shape_cast %eq3A_26 : vector<2048x1xi1> to vector<2048x1xi1>
    %broadcast_in_dim3A_184 = vector.broadcast %broadcast_in_dim3A_183 : vector<2048x1xi1> to vector<2048x64xi1>
    %select_n3A_185 = arith.select %broadcast_in_dim3A_184, %add3A_167, %select_n3A_182 : vector<2048x64xi1>, vector<2048x64xf32>
    %broadcast_in_dim3A_186 = vector.shape_cast %eq3A_23 : vector<2048x1xi1> to vector<2048x1xi1>
    %broadcast_in_dim3A_187 = vector.broadcast %broadcast_in_dim3A_186 : vector<2048x1xi1> to vector<2048x64xi1>
    %select_n3A_188 = arith.select %broadcast_in_dim3A_187, %add3A_161, %select_n3A_185 : vector<2048x64xi1>, vector<2048x64xf32>
    %concatenate3A_189 = tpu.concatenate %select_n3A_188, %broadcast_in_dim3A_50 in 1 : vector<2048x64xf32>, vector<2048x64xf32> -> vector<2048x128xf32>
    %swap3A_190 = arith.constant 2 : index
    %swap3A_191 = arith.constant 0 : index
    %swap3A_192 = arith.constant 0 : index
    %swap3A_193 = vector.load %arg5[%swap3A_190, %swap3A_191, %swap3A_192] : memref<3x2048x128xf32, #tpu.memory_space<vmem>>, vector<1x2048x128xf32>
    %swap3A_194 = vector.shape_cast %swap3A_193 : vector<1x2048x128xf32> to vector<2048x128xf32>
    %swap3A_195 = vector.shape_cast %concatenate3A_189 : vector<2048x128xf32> to vector<1x2048x128xf32>
    tpu.vector_store %arg5[%swap3A_190, %swap3A_191, %swap3A_192], %swap3A_195 {strides = array<i32>} : memref<3x2048x128xf32, #tpu.memory_space<vmem>>, vector<1x2048x128xf32>,
    return
  }
  func.func @transform_0(%arg0: i32) -> (i32, i32, i32) {
    %c0_i32 = arith.constant 0 : i32
    %c0_i32_0 = arith.constant 0 : i32
    %c0_i32_1 = arith.constant 0 : i32
    return %c0_i32, %arg0, %c0_i32_0 : i32, i32, i32
  }
  func.func @transform_1(%arg0: i32) -> (i32, i32) {
    %c0_i32 = arith.constant 0 : i32
    %c0_i32_0 = arith.constant 0 : i32
    return %arg0, %c0_i32 : i32, i32
  }
  func.func @transform_2(%arg0: i32) -> (i32, i32, i32) {
    %c0_i32 = arith.constant 0 : i32
    %c0_i32_0 = arith.constant 0 : i32
    %c0_i32_1 = arith.constant 0 : i32
    %c0_i32_2 = arith.constant 0 : i32
    return %c0_i32, %c0_i32_0, %c0_i32_1 : i32, i32, i32
  }
  func.func @transform_3(%arg0: i32) -> (i32, i32, i32) {
    %c0_i32 = arith.constant 0 : i32
    %c0_i32_0 = arith.constant 0 : i32
    %c0_i32_1 = arith.constant 0 : i32
    %c0_i32_2 = arith.constant 0 : i32
    return %c0_i32, %c0_i32_0, %c0_i32_1 : i32, i32, i32
  }
  func.func @transform_4(%arg0: i32) -> (i32, i32, i32) {
    %c0_i32 = arith.constant 0 : i32
    %c0_i32_0 = arith.constant 0 : i32
    %c0_i32_1 = arith.constant 0 : i32
    return %c0_i32, %arg0, %c0_i32_0 : i32, i32, i32
  }
}

</mosaic_0001>

<sc_bundles>
// kernel: kernel.6.cloned.1.call-start
scs
__scs_entry_jumppad:
0x0: {  	(pc) =	sbr.rel $0x88, $3  }
0x1: {  	(tag) =	ssettag $0x0;
	lr =	simm.s32 $0x1  }
0x2: {  	[smem:$0x3F9A] =	sst lr;
	_ =	strace $0xD0000000  }
0x3: {  	_ = 	snop  }
0x4: {  	_ = 	snop  }
0x5: {  	_ = 	snop  }
0x6: {  	_ = 	snop  }
0x7: {  	_ = 	snop  }
__scs_overlays_trampoline_lowered:
0x8: {  	[smem:$0x3FA9] =	sst s0  }
0x9: {  	[smem:$0x3FAA] =	sst s1  }
0xa: {  	[smem:$0x3FAB] =	sst s2  }
0xb: {  	[smem:$0x3FAC] =	sst s3  }
0xc: {  	[smem:$0x3FAD] =	sst s4  }
0xd: {  	[smem:$0x3FAE] =	sst s5  }
0xe: {  	[smem:$0x3FAF] =	sst s6  }
0xf: {  	[smem:$0x3FB0] =	sst s7  }
0x10: {  	[smem:$0x3FB1] =	sst s8  }
0x11: {  	[smem:$0x3FB2] =	sst s9;
	s0 =	simm.s32 @!p0 $0x0  }
0x12: {  	s1 =	sld [smem:$0x3F98];
	s0 =	simm.s32 @p0 $0x1  }
0x13: {  	[smem:$0x3FB3] =	sst s0;
	s0 =	simm.s32 @!p1 $0x0  }
0x14: {  	s2 =	sld [smem:$0x3F97];
	s0 =	simm.s32 @p1 $0x1  }
0x15: {  	[smem:$0x3FB4] =	sst s0;
	s0 =	simm.s32 @!p2 $0x0  }
0x16: {  	s3 =	sld [smem:$0x3FDB];
	s0 =	simm.s32 @p2 $0x1  }
0x17: {  	s4 =	simm.s32 $0x1BF5;
	[smem:$0x3FB6] =	sst s0  }
0x18: {  	s0 =	sld [smem:$0x3F99];
	_ =	swait.ge [sflag:s4], $0x0  }
0x19: {  	s7 =	sld [smem:$0x3F9A]  }
0x1a: {  	s8 =	sadd.s32 $0xFFFFE003, lr  }
0x1b: {  	s9 =	sadd.s32 $0xFFFFFEF7, lr;
	s5 =	simm.s32 $0xFFFFFFFF;
	p2 =	slt.u32 s8, $0xFFFFF086  }
0x1c: {  	p1 =	slt.u32 s9, $0xF7A;
	s5 =	simm.s32 @!p2 $0x0  }
0x1d: {  	s5 =	simm.s32 @p1 $0x1;
	p0 =	seq.s32 s7, s2  }
0x1e: {  	s7 =	smul.u32 @!p0 $0xF7A, s2;
	p2 =	seq.s32 @!p0 s5, $0x0  }
0x1f: {  	s9 =	smul.u32 $0xF7A, s1;
	s8 =	simm.s32 @!p0 $0x1BF5;
	p2 =	por !p2, p0  }
0x20: {  	[sflag:s8] =	ssyncset.s32 @!p0 $0xFFFFF086;
	s6 =	sadd.s32 @!p0 s3, s7;
	s7 =	simm.s32 @!p0 $0x108  }
0x21: {  	s3 =	sadd.s32 s3, s9;
	s6 =	sadd.s32 @!p0 $0x88, s6;
	s7 =	simm.s32 @p2 $0x1082  }
0x22: {  	[simem:s7], [sflag:s8] =	dma.local @!p0 [hbm:s6], $0xF7A  }
0x23: {  	s9 =	sor.u32 $0xD0000000, s2;
	s6 =	simm.s32 $0x108;
	_ =	swait.ge @!p0 [sflag:s8], $0x0  }
0x24: {  	s3 =	sadd.s32 $0x88, s3;
	s6 =	simm.s32 @!p1 $0x1082;
	[sflag:s4] =	ssyncset.s32 $0xFFFFF086  }
0x25: {  	[simem:s6], [sflag:s4] =	dma.local [hbm:s3], $0xF7A  }
0x26: {  	[smem:$0x3F9A] =	sst s1;
	(tag) =	ssettag s2;
	_ =	strace s9  }
0x27: {  	s1 =	sld [smem:$0x3FAA]  }
0x28: {  	s2 =	sld [smem:$0x3FAB]  }
0x29: {  	s4 =	sld [smem:$0x3FAD]  }
0x2a: {  	p0 =	seq.s32 s5, $0x0;
	s5 =	sld [smem:$0x3FAE]  }
0x2b: {  	s6 =	sld [smem:$0x3FAF]  }
0x2c: {  	s7 =	sld [smem:$0x3FB0]  }
0x2d: {  	s3 =	simm.s32 $0x108;
	s8 =	sld [smem:$0x3FB1]  }
0x2e: {  	s3 =	simm.s32 @!p0 $0x1082;
	s9 =	sld [smem:$0x3FB2]  }
0x2f: {  	lr =	sadd.s32 s0, s3;
	s0 =	sld [smem:$0x3FA9]  }
0x30: {  	s3 =	sld [smem:$0x3FAC]  }
0x31: {  	[smem:$0x3FB5] =	sst s10  }
0x32: {  	s10 =	sld [smem:$0x3FB3];
	_ =	sdelay $0x3  }
0x33: {  	p0 =	seq.s32 s10, $0x1;
	s10 =	sld [smem:$0x3FB5];
	_ =	sdelay $0x3  }
0x34: {  	[smem:$0x3FB5] =	sst s10  }
0x35: {  	s10 =	sld [smem:$0x3FB4];
	_ =	sdelay $0x3  }
0x36: {  	p1 =	seq.s32 s10, $0x1;
	s10 =	sld [smem:$0x3FB5];
	_ =	sdelay $0x3  }
0x37: {  	[smem:$0x3FB5] =	sst s10  }
0x38: {  	s10 =	sld [smem:$0x3FB6]  }
0x39: {  	_ = 	snop;
	(pc) =	sbr.ind lr, $3  }
0x3a: {  	_ = 	snop  }
0x3b: {  	_ = 	snop  }
0x3c: {  	p2 =	seq.s32 s10, $0x1;
	s10 =	sld [smem:$0x3FB5]  }
0x3d: {  	_ =	shalt  }
0x3e: {  	_ =	shalt  }
0x3f: {  	_ =	shalt  }
0x40: {  	_ =	shalt  }
0x41: {  	_ =	shalt  }
0x42: {  	_ =	shalt  }
0x43: {  	_ =	shalt  }
0x44: {  	_ =	shalt  }
0x45: {  	_ =	shalt  }
0x46: {  	_ =	shalt  }
0x47: {  	_ =	shalt  }
0x48: {  	_ =	shalt  }
0x49: {  	_ =	shalt  }
0x4a: {  	_ =	shalt  }
0x4b: {  	_ =	shalt  }
0x4c: {  	_ =	shalt  }
0x4d: {  	_ =	shalt  }
0x4e: {  	_ =	shalt  }
0x4f: {  	_ =	shalt  }
0x50: {  	_ =	shalt  }
0x51: {  	_ =	shalt  }
0x52: {  	_ =	shalt  }
0x53: {  	_ =	shalt  }
0x54: {  	_ =	shalt  }
0x55: {  	_ =	shalt  }
0x56: {  	_ =	shalt  }
0x57: {  	_ =	shalt  }
0x58: {  	_ =	shalt  }
0x59: {  	_ =	shalt  }
0x5a: {  	_ =	shalt  }
0x5b: {  	_ =	shalt  }
0x5c: {  	_ =	shalt  }
0x5d: {  	_ =	shalt  }
0x5e: {  	_ =	shalt  }
0x5f: {  	_ =	shalt  }
0x60: {  	_ =	shalt  }
0x61: {  	_ =	shalt  }
0x62: {  	_ =	shalt  }
0x63: {  	_ =	shalt  }
0x64: {  	_ =	shalt  }
0x65: {  	_ =	shalt  }
0x66: {  	_ =	shalt  }
0x67: {  	_ =	shalt  }
0x68: {  	_ =	shalt  }
0x69: {  	_ =	shalt  }
0x6a: {  	_ =	shalt  }
0x6b: {  	_ =	shalt  }
0x6c: {  	_ =	shalt  }
0x6d: {  	_ =	shalt  }
0x6e: {  	_ =	shalt  }
0x6f: {  	_ =	shalt  }
0x70: {  	_ =	shalt  }
0x71: {  	_ =	shalt  }
0x72: {  	_ =	shalt  }
0x73: {  	_ =	shalt  }
0x74: {  	_ =	shalt  }
0x75: {  	_ =	shalt  }
0x76: {  	_ =	shalt  }
0x77: {  	_ =	shalt  }
0x78: {  	_ =	shalt  }
0x79: {  	_ =	shalt  }
0x7a: {  	_ =	shalt  }
0x7b: {  	_ =	shalt  }
0x7c: {  	_ =	shalt  }
0x7d: {  	_ =	shalt  }
0x7e: {  	_ =	shalt  }
0x7f: {  	_ =	shalt  }
0x80: {  	_ =	shalt  }
0x81: {  	_ =	shalt  }
0x82: {  	_ =	shalt  }
0x83: {  	_ =	shalt  }
0x84: {  	_ =	shalt  }
0x85: {  	_ =	shalt  }
0x86: {  	_ =	shalt  }
0x87: {  	_ =	shalt  }
.Lfunc_end0:
.L_simem_size_0:
called_computation_lowered:
.L_overlay_start_0:
0x88: {  	s2 =	sld [smem:$0x3FD9]  }
0x89: {  	s3 =	sld [smem:$0x3FFE];
	_ =	sdelay $0x1  }
0x8a: {  	s1 =	srdreg.scid  }
0x8b: {  	s0 =	sand.u32 $0x1, s1  }
0x8c: {  	s17 =	sshll.u32 s0, $0xA;
	s2 =	sadd.s32 s3, s2  }
0x8d: {  	s2 =	sadd.s32 s2, s17  }
0x8e: {  	[smem:$0x3FC1] =	sst s2  }
0x8f: {  	_ = 	snop  }
0x90: {  	s2 =	sld [smem:$0x3FD0];
	(tm) =	ssettm $0x1  }
0x91: {  	s18 =	sld [smem:$0x3FFB];
	_ =	sdelay $0x3  }
0x92: {  	_ =	strace s18  }
0x93: {  	s3 =	sld [smem:$0x3FFC];
	_ =	sdelay $0x3  }
0x94: {  	_ =	strace s3  }
0x95: {  	s3 =	sld [smem:$0x3FFD];
	_ =	sdelay $0x3  }
0x96: {  	_ =	strace s3  }
0x97: {  	_ =	strace $0x8FFFFFFF  }
0x98: {  	s19 =	sld [smem:$0x3FDB];
	_ =	sdelay $0x1  }
0x99: {  	s4 =	simm.s32 $_scs_section_size  }
0x9a: {  	s5 =	simm.s32 $_size__tile_overlayer_lowered;
	s6 =	simm.s32 $_tile_overlayer_lowered  }
0x9b: {  	s22 =	simm.s32 $0x1BFF;
	s21 =	sshll.u32 s6, $0x1;
	s3 =	sadd.s32 s4, s19  }
0x9c: {  	s7 =	simm.s32 $0x0;
	s20 =	sshll.u32 s5, $0x1;
	s5 =	sadd.s32 s21, s3  }
0x9d: {  	[timem:s7], [sflag:s22] =	dma.local [hbm:s5], s20  }
0x9e: {  	_ =	swait.ge [sflag:s22], s20  }
0x9f: {  	s4 =	ssub.s32 $0x0, s20;
	[sflag:s22] =	ssyncset.done $0x0  }
0xa0: {  	[sflag:s22] =	ssyncadd.s32 s4;
	_ =	sdelay $0x1  }
0xa1: {  	s23 =	simm.s32 $0x1B8B  }
0xa2: {  	_ =	swait.ge [sflag:s23], $0x1  }
0xa3: {  	[sflag:s23] =	ssyncset.done $0x0  }
0xa4: {  	s25 =	simm.s32 $0x1B8E;
	s24 =	sld [smem:$0x3FFE];
	[sflag:s23] =	ssyncadd.s32 $0xFFFFFFFF  }
0xa5: {  	s26 =	simm.s32 $execute0_lowered;
	[smem:$0x3FD2] =	sst s25  }
0xa6: {  	s5 =	sshll.u32 s26, $0x1;
	_ =	strace $0x80000046;
	[dreg:$0x1] =	wrdreg $0xFFFFFFFF  }
0xa7: {  	s28 =	simm.s32 $_size_execute0_lowered;
	s3 =	sadd.s32 s3, s5;
	[dreg:$0x0] =	wrdreg $0x0  }
0xa8: {  	s5 =	sshll.u32 s28, $0x1;
	[dreg:$0x2] =	wrdreg s3  }
0xa9: {  	[dreg:$0x3] =	wrdreg s5  }
0xaa: {  	[dreg:$0x4] =	wrdreg $0xC0  }
0xab: {  	_ =	task [dreg:s7], $0x5FFFF  }
0xac: {  	[dreg:$0x1] =	wrdreg $0xFFFFFFFF  }
0xad: {  	[dreg:$0x0] =	wrdreg $0x60  }
0xae: {  	[dreg:$0x2] =	wrdreg s24  }
0xaf: {  	[dreg:$0x3] =	wrdreg s2  }
0xb0: {  	[dreg:$0x4] =	wrdreg $0x9  }
0xb1: {  	_ =	task.clear_ibuf [dreg:s7], $0x5FFFF;
	_ =	strace $0x90000046  }
0xb2: {  	s29 =	simm.s32 $0x9;
	_ =	strace $0x80000048  }
0xb3: {  	_ =	swait.ge [sflag:s29], $0x1  }
0xb4: {  	[sflag:s29] =	ssyncadd.s32 $0xFFFFFFFF  }
0xb5: {  	_ =	strace $0x90000048  }
0xb6: {  	_ =	sfence  }
0xb7: {  	s30 =	sld [smem:$0x0];
	_ =	sdelay $0x2  }
0xb8: {  	s31 =	sshll.u32 s1, $0xD;
	s1 =	sshrl.u32 s1, $0x2  }
0xb9: {  	s3 =	sand.u32 $0x4000, s31;
	s1 =	sadd.s32 s1, s30  }
0xba: {  	s0 =	sor.u32 s3, s0;
	s1 =	sshll.u32 s1, $0x11  }
0xbb: {  	s0 =	sor.u32 s1, s0  }
0xbc: {  	s0 =	sadd.s32 $0x8F2B, s0  }
0xbd: {  	[sflag:s0] =	ssyncadd.remote.s32 $0x1  }
0xbe: {  	_ =	sfence.sel $0xFFFF  }
0xbf: {  	[dreg:$0x0] =	wrdreg $0xFFFFFFFF;
	(pc) =	sbr.abs _section_cstart, $3  }
0xc0: {  	[dreg:$0x1] =	wrdreg $0xFFFFFFFF  }
0xc1: {  	_ =	task.clear_ibuf [dreg:s7], $0x2FFFF;
	_ =	strace $0x9FFFFFFF  }
0xc2: {  	(tm) =	ssettm $0x7FFFFFFF  }
0xc3: {  	_ =	shalt  }
tec
execute0_lowered:
.L_overlay_start_1:
0x0: {  	(tag) =	ssettag $0x1  }
0x1: {  	s1 =	srdreg.scid;
	s0 =	stileid.u32  }
0x2: {  	s18 =	rddreg [dreg:$0x0];
	s31 =	sand.u32 $0x1, s1;
	s4 =	sshll.u32 s0, $0x1  }
0x3: {  	s3 =	rddreg [dreg:$0x1];
	s2 =	simm.s32 $0x0;
	s13 =	sor.u32 s31, s4  }
0x4: {  	[smem:$0x7FF] =	sst s2;
	s4 =	sshll.u32 s13, $0x7  }
0x5: {  	_ =	strace $0x80000047;
	s3 =	sadd.s32 s3, s4;
	s4 =	simm.s32 $0x8  }
0x6: {  	[tilespmem:s2], [sflag:$0x8] =	stream.linear.gather [hbm4b:s3+s2], $0x300, $0x38;
	[tilespmem:$0x18400] =	vst v63  }
0x7: {  	_ =	swait.ge [sflag:s4], $0x300  }
0x8: {  	s6 =	simm.s32 $0x80;
	[sflag:s4] =	ssyncset.done $0x0  }
0x9: {  	s7 =	simm.s32 $0x400;
	s5 =	sadd.s32 $0x1800, s18;
	[sflag:s4] =	ssyncadd.s32 $0xFFFFFD00  }
0xa: {  	[tilespmem:s7], [sflag:$0x1] =	stream.indirect.gather [hbm4b:s5+s6], $0x80, s2, s6, $0xb8;
	[tilespmem:$0x18400] =	vst v63  }
0xb: {  	s8 =	simm.s32 $0x4400  }
0xc: {  	[tilespmem:s8], [sflag:$0x2] =	stream.indirect.gather [hbm4b:s5+s6], $0x80, s6, s6, $0xb8;
	[tilespmem:$0x18400] =	vst v63  }
0xd: {  	s9 =	simm.s32 $0x100;
	s10 =	simm.s32 $0x8400  }
0xe: {  	[tilespmem:s10], [sflag:$0x3] =	stream.indirect.gather [hbm4b:s5+s6], $0x80, s9, s6, $0xb8;
	[tilespmem:$0x18400] =	vst v63  }
0xf: {  	s11 =	simm.s32 $0x180;
	s12 =	simm.s32 $0xC400  }
0x10: {  	[tilespmem:s12], [sflag:$0x4] =	stream.indirect.gather [hbm4b:s5+s6], $0x80, s11, s6, $0xb8;
	[tilespmem:$0x18400] =	vst v63  }
0x11: {  	s14 =	simm.s32 $0x10400;
	s19 =	smul.u32 $0x18000, s13;
	s13 =	simm.s32 $0x200  }
0x12: {  	[tilespmem:s14], [sflag:$0x5] =	stream.indirect.gather [hbm4b:s5+s6], $0x80, s13, s6, $0xb8;
	[tilespmem:$0x18400] =	vst v63  }
0x13: {  	s15 =	simm.s32 $0x280;
	s16 =	simm.s32 $0x14400;
	s17 =	simm.s32 $0x1  }
0x14: {  	[tilespmem:s16], [sflag:$0x6] =	stream.indirect.gather [hbm4b:s5+s6], $0x80, s15, s6, $0xb8;
	[tilespmem:$0x18400] =	vst v63  }
0x15: {  	s19 =	sshrl.u32 s19, $0x3;
	_ =	swait.ge [sflag:s17], $0x4000  }
0x16: {  	s29 =	sadd.s32 s19, s18;
	[sflag:s17] =	ssyncset.done $0x0  }
0x17: {  	s19 =	simm.s32 $0x2;
	s18 =	sadd.s32 $0x21800, s29;
	[sflag:s17] =	ssyncadd.s32 $0xFFFFC000  }
0x18: {  	[hbm4b:s18+s2] =	stream.linear.scatter [tilespmem:s7], [sflag:$0x7], $0x4000, $0x38;
	[tilespmem:$0x18400] =	vst v63  }
0x19: {  	_ =	swait.ge [sflag:s19], $0x4000  }
0x1a: {  	[sflag:s19] =	ssyncset.done $0x0  }
0x1b: {  	s21 =	simm.s32 $0x3;
	s20 =	sadd.s32 $0x22000, s29;
	[sflag:s19] =	ssyncadd.s32 $0xFFFFC000  }
0x1c: {  	[hbm4b:s20+s2] =	stream.linear.scatter [tilespmem:s8], [sflag:$0x7], $0x4000, $0x38;
	[tilespmem:$0x18400] =	vst v63  }
0x1d: {  	_ =	swait.ge [sflag:s21], $0x4000  }
0x1e: {  	[sflag:s21] =	ssyncset.done $0x0  }
0x1f: {  	s23 =	simm.s32 $0x4;
	s22 =	sadd.s32 $0x22800, s29;
	[sflag:s21] =	ssyncadd.s32 $0xFFFFC000  }
0x20: {  	[hbm4b:s22+s2] =	stream.linear.scatter [tilespmem:s10], [sflag:$0x7], $0x4000, $0x38;
	[tilespmem:$0x18400] =	vst v63  }
0x21: {  	_ =	swait.ge [sflag:s23], $0x4000  }
0x22: {  	[sflag:s23] =	ssyncset.done $0x0  }
0x23: {  	s25 =	simm.s32 $0x5;
	s24 =	sadd.s32 $0x23000, s29;
	[sflag:s23] =	ssyncadd.s32 $0xFFFFC000  }
0x24: {  	[hbm4b:s24+s2] =	stream.linear.scatter [tilespmem:s12], [sflag:$0x7], $0x4000, $0x38;
	[tilespmem:$0x18400] =	vst v63  }
0x25: {  	_ =	swait.ge [sflag:s25], $0x4000  }
0x26: {  	[sflag:s25] =	ssyncset.done $0x0  }
0x27: {  	s28 =	simm.s32 $0x6;
	s26 =	sadd.s32 $0x23800, s29;
	[sflag:s25] =	ssyncadd.s32 $0xFFFFC000  }
0x28: {  	[hbm4b:s26+s2] =	stream.linear.scatter [tilespmem:s14], [sflag:$0x7], $0x4000, $0x38;
	[tilespmem:$0x18400] =	vst v63  }
0x29: {  	_ =	swait.ge [sflag:s28], $0x4000  }
0x2a: {  	[sflag:s28] =	ssyncset.done $0x0  }
0x2b: {  	s30 =	simm.s32 $0x7;
	s29 =	sadd.s32 $0x24000, s29;
	[sflag:s28] =	ssyncadd.s32 $0xFFFFC000  }
0x2c: {  	[hbm4b:s29+s2] =	stream.linear.scatter [tilespmem:s16], [sflag:$0x7], $0x4000, $0x38;
	[tilespmem:$0x18400] =	vst v63  }
0x2d: {  	_ =	swait.ge [sflag:s30], $0x4000  }
0x2e: {  	[sflag:s30] =	ssyncset.done $0x0  }
0x2f: {  	[sflag:s30] =	ssyncadd.s32 $0xFFFFC000  }
0x30: {  	_ =	swait.ge [sflag:s30], $0x4000  }
0x31: {  	[sflag:s30] =	ssyncset.done $0x0  }
0x32: {  	[sflag:s30] =	ssyncadd.s32 $0xFFFFC000  }
0x33: {  	_ =	swait.ge [sflag:s30], $0x4000  }
0x34: {  	s31 =	ssub.s32 $0x2, s31;
	[sflag:s30] =	ssyncset.done $0x0  }
0x35: {  	s1 =	sshrl.u32 s31, $0x1;
	[sflag:s30] =	ssyncadd.s32 $0xFFFFC000  }
0x36: {  	s1 =	ssub.s32 s31, s1;
	_ =	swait.ge [sflag:s30], $0x4000  }
0x37: {  	s1 =	smax.u32 s1, $0x1;
	[sflag:s30] =	ssyncset.done $0x0  }
0x38: {  	p0 =	sne.s32 s1, $0x1;
	[sflag:s30] =	ssyncadd.s32 $0xFFFFC000  }
.Ltmp0:
0x39: {  	_ =	swait.ge [sflag:s30], $0x4000;
	(pc) =	sbr.rel @!p0 .LBB2_2-.Ltmp0, $4  }
0x3a: {  	[sflag:s30] =	ssyncset.done $0x0  }
0x3b: {  	[sflag:s30] =	ssyncadd.s32 $0xFFFFC000  }
0x3c: {  	_ =	swait.ge [sflag:s30], $0x4000  }
0x3d: {  	s31 =	sadd.s32 $0xFFFFFFFF, s1;
	[sflag:s30] =	ssyncset.done $0x0  }
.LBB2_1:
0x3e: {  	p0 =	sne.s32 s31, $0x1;
	s31 =	sadd.s32 $0xFFFFFFFF, s31;
	[sflag:s30] =	ssyncadd.s32 $0xFFFFC000  }
0x3f: {  	[tilespmem:s2], [sflag:$0x8] =	stream.linear.gather [hbm4b:s3+s2], $0x300, $0x38;
	[tilespmem:$0x18400] =	vst v63  }
0x40: {  	_ =	swait.ge [sflag:s4], $0x300  }
0x41: {  	[sflag:s4] =	ssyncset.done $0x0  }
0x42: {  	[sflag:s4] =	ssyncadd.s32 $0xFFFFFD00  }
0x43: {  	[tilespmem:s7], [sflag:$0x1] =	stream.indirect.gather [hbm4b:s5+s6], $0x80, s2, s6, $0xb8;
	[tilespmem:$0x18400] =	vst v63  }
0x44: {  	_ = 	snop  }
0x45: {  	[tilespmem:s8], [sflag:$0x2] =	stream.indirect.gather [hbm4b:s5+s6], $0x80, s6, s6, $0xb8;
	[tilespmem:$0x18400] =	vst v63  }
0x46: {  	_ = 	snop  }
0x47: {  	[tilespmem:s10], [sflag:$0x3] =	stream.indirect.gather [hbm4b:s5+s6], $0x80, s9, s6, $0xb8;
	[tilespmem:$0x18400] =	vst v63  }
0x48: {  	_ = 	snop  }
0x49: {  	[tilespmem:s12], [sflag:$0x4] =	stream.indirect.gather [hbm4b:s5+s6], $0x80, s11, s6, $0xb8;
	[tilespmem:$0x18400] =	vst v63  }
0x4a: {  	_ = 	snop  }
0x4b: {  	[tilespmem:s14], [sflag:$0x5] =	stream.indirect.gather [hbm4b:s5+s6], $0x80, s13, s6, $0xb8;
	[tilespmem:$0x18400] =	vst v63  }
0x4c: {  	_ = 	snop  }
0x4d: {  	[tilespmem:s16], [sflag:$0x6] =	stream.indirect.gather [hbm4b:s5+s6], $0x80, s15, s6, $0xb8;
	[tilespmem:$0x18400] =	vst v63  }
0x4e: {  	_ =	swait.ge [sflag:s17], $0x4000  }
0x4f: {  	[sflag:s17] =	ssyncset.done $0x0  }
0x50: {  	[sflag:s17] =	ssyncadd.s32 $0xFFFFC000  }
0x51: {  	[hbm4b:s18+s2] =	stream.linear.scatter [tilespmem:s7], [sflag:$0x7], $0x4000, $0x38;
	[tilespmem:$0x18400] =	vst v63  }
0x52: {  	_ =	swait.ge [sflag:s19], $0x4000  }
0x53: {  	[sflag:s19] =	ssyncset.done $0x0  }
0x54: {  	[sflag:s19] =	ssyncadd.s32 $0xFFFFC000  }
0x55: {  	[hbm4b:s20+s2] =	stream.linear.scatter [tilespmem:s8], [sflag:$0x7], $0x4000, $0x38;
	[tilespmem:$0x18400] =	vst v63  }
0x56: {  	_ =	swait.ge [sflag:s21], $0x4000  }
0x57: {  	[sflag:s21] =	ssyncset.done $0x0  }
0x58: {  	[sflag:s21] =	ssyncadd.s32 $0xFFFFC000  }
0x59: {  	[hbm4b:s22+s2] =	stream.linear.scatter [tilespmem:s10], [sflag:$0x7], $0x4000, $0x38;
	[tilespmem:$0x18400] =	vst v63  }
0x5a: {  	_ =	swait.ge [sflag:s23], $0x4000  }
0x5b: {  	[sflag:s23] =	ssyncset.done $0x0  }
0x5c: {  	[sflag:s23] =	ssyncadd.s32 $0xFFFFC000  }
0x5d: {  	[hbm4b:s24+s2] =	stream.linear.scatter [tilespmem:s12], [sflag:$0x7], $0x4000, $0x38;
	[tilespmem:$0x18400] =	vst v63  }
0x5e: {  	_ =	swait.ge [sflag:s25], $0x4000  }
0x5f: {  	[sflag:s25] =	ssyncset.done $0x0  }
0x60: {  	[sflag:s25] =	ssyncadd.s32 $0xFFFFC000  }
0x61: {  	[hbm4b:s26+s2] =	stream.linear.scatter [tilespmem:s14], [sflag:$0x7], $0x4000, $0x38;
	[tilespmem:$0x18400] =	vst v63  }
0x62: {  	_ =	swait.ge [sflag:s28], $0x4000  }
0x63: {  	[sflag:s28] =	ssyncset.done $0x0  }
0x64: {  	[sflag:s28] =	ssyncadd.s32 $0xFFFFC000  }
0x65: {  	[hbm4b:s29+s2] =	stream.linear.scatter [tilespmem:s16], [sflag:$0x7], $0x4000, $0x38;
	[tilespmem:$0x18400] =	vst v63  }
0x66: {  	_ =	swait.ge [sflag:s30], $0x4000  }
0x67: {  	[sflag:s30] =	ssyncset.done $0x0  }
0x68: {  	[sflag:s30] =	ssyncadd.s32 $0xFFFFC000  }
0x69: {  	_ =	swait.ge [sflag:s30], $0x4000  }
0x6a: {  	[sflag:s30] =	ssyncset.done $0x0  }
0x6b: {  	[sflag:s30] =	ssyncadd.s32 $0xFFFFC000  }
0x6c: {  	_ =	swait.ge [sflag:s30], $0x4000  }
0x6d: {  	[sflag:s30] =	ssyncset.done $0x0  }
0x6e: {  	[sflag:s30] =	ssyncadd.s32 $0xFFFFC000  }
0x6f: {  	_ =	swait.ge [sflag:s30], $0x4000  }
0x70: {  	[sflag:s30] =	ssyncset.done $0x0  }
0x71: {  	[sflag:s30] =	ssyncadd.s32 $0xFFFFC000  }
.Ltmp1:
0x72: {  	_ =	swait.ge [sflag:s30], $0x4000;
	(pc) =	sbr.rel @p0 .LBB2_1-.Ltmp1, $4  }
0x73: {  	[sflag:s30] =	ssyncset.done $0x0  }
0x74: {  	[sflag:s30] =	ssyncadd.s32 $0xFFFFC000  }
0x75: {  	_ =	swait.ge [sflag:s30], $0x4000  }
0x76: {  	[sflag:s30] =	ssyncset.done $0x0  }
.LBB2_2:
0x77: {  	[sflag:s30] =	ssyncadd.s32 $0xFFFFC000  }
0x78: {  	_ =	sfence.sel $0x180000  }
0x79: {  	[bflag:$0x0] =	sbarrier.arrive $0xFFFF  }
0x7a: {  	_ =	strace $0x90000047  }
0x7b: {  	[bflag:$0x2] =	sbarrier.arrive $0xFFFF  }
0x7c: {  	p0 =	sne.s32 s0, $0x0;
	s0 =	rddreg [dreg:$0x2]  }
0x7d: {  	s0 =	sadd.s32 @!p0 $0x100000, s0  }
0x7e: {  	[sflag:s0] =	ssyncadd.tile.s32 @!p0 $0x1;
	_ =	shalt  }
.Lfunc_end2:
_tile_overlayer_lowered:
.L_overlay_start_2:
0x7f: {  	(tag) =	ssettag $0x2  }
0x80: {  	s0 =	rddreg [dreg:$0x0];
	s2 =	stileid.u32  }
0x81: {  	s1 =	rddreg [dreg:$0x1];
	p0 =	sne.s32 s2, $0x0  }
0x82: {  	s3 =	rddreg [dreg:$0x2];
	[bflag:$0x3] =	sbarrier.arrive $0xFFFF;
	s2 =	simm.s32 @!p0 $0x1C08  }
0x83: {  	[timem:s3], [sflag:s2] =	dma.local @!p0 [hbm:s0], s1  }
0x84: {  	s0 =	simm.s32 @!p0 $0x8  }
0x85: {  	_ =	swait.ge @!p0 [sflag:s0], s1  }
0x86: {  	s1 =	ssub.s32 @!p0 $0x0, s1;
	[sflag:s0] =	ssyncset.done @!p0 $0x0  }
0x87: {  	[sflag:s0] =	ssyncadd.s32 @!p0 s1  }
0x88: {  	[bflag:$0x3] =	sbarrier.arrive $0xFFFF  }
0x89: {  	_ =	shalt  }

// kernel: kernel.9.cloned.1.call-start
scs
__scs_entry_jumppad:
0x0: {  	(pc) =	sbr.rel $0x88, $3  }
0x1: {  	(tag) =	ssettag $0x0;
	lr =	simm.s32 $0x1  }
0x2: {  	[smem:$0x3F9A] =	sst lr;
	_ =	strace $0xD0000000  }
0x3: {  	_ = 	snop  }
0x4: {  	_ = 	snop  }
0x5: {  	_ = 	snop  }
0x6: {  	_ = 	snop  }
0x7: {  	_ = 	snop  }
__scs_overlays_trampoline_lowered:
0x8: {  	[smem:$0x3FA9] =	sst s0  }
0x9: {  	[smem:$0x3FAA] =	sst s1  }
0xa: {  	[smem:$0x3FAB] =	sst s2  }
0xb: {  	[smem:$0x3FAC] =	sst s3  }
0xc: {  	[smem:$0x3FAD] =	sst s4  }
0xd: {  	[smem:$0x3FAE] =	sst s5  }
0xe: {  	[smem:$0x3FAF] =	sst s6  }
0xf: {  	[smem:$0x3FB0] =	sst s7  }
0x10: {  	[smem:$0x3FB1] =	sst s8  }
0x11: {  	[smem:$0x3FB2] =	sst s9;
	s0 =	simm.s32 @!p0 $0x0  }
0x12: {  	s1 =	sld [smem:$0x3F98];
	s0 =	simm.s32 @p0 $0x1  }
0x13: {  	[smem:$0x3FB3] =	sst s0;
	s0 =	simm.s32 @!p1 $0x0  }
0x14: {  	s2 =	sld [smem:$0x3F97];
	s0 =	simm.s32 @p1 $0x1  }
0x15: {  	[smem:$0x3FB4] =	sst s0;
	s0 =	simm.s32 @!p2 $0x0  }
0x16: {  	s3 =	sld [smem:$0x3FDB];
	s0 =	simm.s32 @p2 $0x1  }
0x17: {  	s4 =	simm.s32 $0x1BF5;
	[smem:$0x3FB6] =	sst s0  }
0x18: {  	s0 =	sld [smem:$0x3F99];
	_ =	swait.ge [sflag:s4], $0x0  }
0x19: {  	s7 =	sld [smem:$0x3F9A]  }
0x1a: {  	s8 =	sadd.s32 $0xFFFFE003, lr  }
0x1b: {  	s9 =	sadd.s32 $0xFFFFFEF7, lr;
	s5 =	simm.s32 $0xFFFFFFFF;
	p2 =	slt.u32 s8, $0xFFFFF086  }
0x1c: {  	p1 =	slt.u32 s9, $0xF7A;
	s5 =	simm.s32 @!p2 $0x0  }
0x1d: {  	s5 =	simm.s32 @p1 $0x1;
	p0 =	seq.s32 s7, s2  }
0x1e: {  	s7 =	smul.u32 @!p0 $0xF7A, s2;
	p2 =	seq.s32 @!p0 s5, $0x0  }
0x1f: {  	s9 =	smul.u32 $0xF7A, s1;
	s8 =	simm.s32 @!p0 $0x1BF5;
	p2 =	por !p2, p0  }
0x20: {  	[sflag:s8] =	ssyncset.s32 @!p0 $0xFFFFF086;
	s6 =	sadd.s32 @!p0 s3, s7;
	s7 =	simm.s32 @!p0 $0x108  }
0x21: {  	s3 =	sadd.s32 s3, s9;
	s6 =	sadd.s32 @!p0 $0x88, s6;
	s7 =	simm.s32 @p2 $0x1082  }
0x22: {  	[simem:s7], [sflag:s8] =	dma.local @!p0 [hbm:s6], $0xF7A  }
0x23: {  	s9 =	sor.u32 $0xD0000000, s2;
	s6 =	simm.s32 $0x108;
	_ =	swait.ge @!p0 [sflag:s8], $0x0  }
0x24: {  	s3 =	sadd.s32 $0x88, s3;
	s6 =	simm.s32 @!p1 $0x1082;
	[sflag:s4] =	ssyncset.s32 $0xFFFFF086  }
0x25: {  	[simem:s6], [sflag:s4] =	dma.local [hbm:s3], $0xF7A  }
0x26: {  	[smem:$0x3F9A] =	sst s1;
	(tag) =	ssettag s2;
	_ =	strace s9  }
0x27: {  	s1 =	sld [smem:$0x3FAA]  }
0x28: {  	s2 =	sld [smem:$0x3FAB]  }
0x29: {  	s4 =	sld [smem:$0x3FAD]  }
0x2a: {  	p0 =	seq.s32 s5, $0x0;
	s5 =	sld [smem:$0x3FAE]  }
0x2b: {  	s6 =	sld [smem:$0x3FAF]  }
0x2c: {  	s7 =	sld [smem:$0x3FB0]  }
0x2d: {  	s3 =	simm.s32 $0x108;
	s8 =	sld [smem:$0x3FB1]  }
0x2e: {  	s3 =	simm.s32 @!p0 $0x1082;
	s9 =	sld [smem:$0x3FB2]  }
0x2f: {  	lr =	sadd.s32 s0, s3;
	s0 =	sld [smem:$0x3FA9]  }
0x30: {  	s3 =	sld [smem:$0x3FAC]  }
0x31: {  	[smem:$0x3FB5] =	sst s10  }
0x32: {  	s10 =	sld [smem:$0x3FB3];
	_ =	sdelay $0x3  }
0x33: {  	p0 =	seq.s32 s10, $0x1;
	s10 =	sld [smem:$0x3FB5];
	_ =	sdelay $0x3  }
0x34: {  	[smem:$0x3FB5] =	sst s10  }
0x35: {  	s10 =	sld [smem:$0x3FB4];
	_ =	sdelay $0x3  }
0x36: {  	p1 =	seq.s32 s10, $0x1;
	s10 =	sld [smem:$0x3FB5];
	_ =	sdelay $0x3  }
0x37: {  	[smem:$0x3FB5] =	sst s10  }
0x38: {  	s10 =	sld [smem:$0x3FB6]  }
0x39: {  	_ = 	snop;
	(pc) =	sbr.ind lr, $3  }
0x3a: {  	_ = 	snop  }
0x3b: {  	_ = 	snop  }
0x3c: {  	p2 =	seq.s32 s10, $0x1;
	s10 =	sld [smem:$0x3FB5]  }
0x3d: {  	_ =	shalt  }
0x3e: {  	_ =	shalt  }
0x3f: {  	_ =	shalt  }
0x40: {  	_ =	shalt  }
0x41: {  	_ =	shalt  }
0x42: {  	_ =	shalt  }
0x43: {  	_ =	shalt  }
0x44: {  	_ =	shalt  }
0x45: {  	_ =	shalt  }
0x46: {  	_ =	shalt  }
0x47: {  	_ =	shalt  }
0x48: {  	_ =	shalt  }
0x49: {  	_ =	shalt  }
0x4a: {  	_ =	shalt  }
0x4b: {  	_ =	shalt  }
0x4c: {  	_ =	shalt  }
0x4d: {  	_ =	shalt  }
0x4e: {  	_ =	shalt  }
0x4f: {  	_ =	shalt  }
0x50: {  	_ =	shalt  }
0x51: {  	_ =	shalt  }
0x52: {  	_ =	shalt  }
0x53: {  	_ =	shalt  }
0x54: {  	_ =	shalt  }
0x55: {  	_ =	shalt  }
0x56: {  	_ =	shalt  }
0x57: {  	_ =	shalt  }
0x58: {  	_ =	shalt  }
0x59: {  	_ =	shalt  }
0x5a: {  	_ =	shalt  }
0x5b: {  	_ =	shalt  }
0x5c: {  	_ =	shalt  }
0x5d: {  	_ =	shalt  }
0x5e: {  	_ =	shalt  }
0x5f: {  	_ =	shalt  }
0x60: {  	_ =	shalt  }
0x61: {  	_ =	shalt  }
0x62: {  	_ =	shalt  }
0x63: {  	_ =	shalt  }
0x64: {  	_ =	shalt  }
0x65: {  	_ =	shalt  }
0x66: {  	_ =	shalt  }
0x67: {  	_ =	shalt  }
0x68: {  	_ =	shalt  }
0x69: {  	_ =	shalt  }
0x6a: {  	_ =	shalt  }
0x6b: {  	_ =	shalt  }
0x6c: {  	_ =	shalt  }
0x6d: {  	_ =	shalt  }
0x6e: {  	_ =	shalt  }
0x6f: {  	_ =	shalt  }
0x70: {  	_ =	shalt  }
0x71: {  	_ =	shalt  }
0x72: {  	_ =	shalt  }
0x73: {  	_ =	shalt  }
0x74: {  	_ =	shalt  }
0x75: {  	_ =	shalt  }
0x76: {  	_ =	shalt  }
0x77: {  	_ =	shalt  }
0x78: {  	_ =	shalt  }
0x79: {  	_ =	shalt  }
0x7a: {  	_ =	shalt  }
0x7b: {  	_ =	shalt  }
0x7c: {  	_ =	shalt  }
0x7d: {  	_ =	shalt  }
0x7e: {  	_ =	shalt  }
0x7f: {  	_ =	shalt  }
0x80: {  	_ =	shalt  }
0x81: {  	_ =	shalt  }
0x82: {  	_ =	shalt  }
0x83: {  	_ =	shalt  }
0x84: {  	_ =	shalt  }
0x85: {  	_ =	shalt  }
0x86: {  	_ =	shalt  }
0x87: {  	_ =	shalt  }
.Lfunc_end0:
.L_simem_size_0:
called_computation.1_lowered:
.L_overlay_start_0:
0x88: {  	s2 =	sld [smem:$0x3FD9]  }
0x89: {  	s3 =	sld [smem:$0x3FFE];
	_ =	sdelay $0x1  }
0x8a: {  	s1 =	srdreg.scid  }
0x8b: {  	s0 =	sand.u32 $0x1, s1  }
0x8c: {  	s16 =	sshll.u32 s0, $0xA;
	s2 =	sadd.s32 s3, s2  }
0x8d: {  	s2 =	sadd.s32 s2, s16  }
0x8e: {  	[smem:$0x3FC1] =	sst s2  }
0x8f: {  	_ = 	snop  }
0x90: {  	(tm) =	ssettm $0x1  }
0x91: {  	s17 =	sld [smem:$0x3FFB];
	_ =	sdelay $0x3  }
0x92: {  	_ =	strace s17  }
0x93: {  	s2 =	sld [smem:$0x3FFC];
	_ =	sdelay $0x3  }
0x94: {  	_ =	strace s2  }
0x95: {  	s2 =	sld [smem:$0x3FFD];
	_ =	sdelay $0x3  }
0x96: {  	_ =	strace s2  }
0x97: {  	_ =	strace $0x8FFFFFFF  }
0x98: {  	s18 =	sld [smem:$0x3FDB];
	_ =	sdelay $0x1  }
0x99: {  	s19 =	simm.s32 $_scs_section_size  }
0x9a: {  	s4 =	simm.s32 $_size__tile_overlayer_lowered;
	s5 =	simm.s32 $_tile_overlayer_lowered  }
0x9b: {  	s22 =	simm.s32 $0x1BFF;
	s21 =	sshll.u32 s5, $0x1;
	s2 =	sadd.s32 s19, s18  }
0x9c: {  	s6 =	simm.s32 $0x0;
	s20 =	sshll.u32 s4, $0x1;
	s4 =	sadd.s32 s21, s2  }
0x9d: {  	[timem:s6], [sflag:s22] =	dma.local [hbm:s4], s20  }
0x9e: {  	_ =	swait.ge [sflag:s22], s20  }
0x9f: {  	s3 =	ssub.s32 $0x0, s20;
	[sflag:s22] =	ssyncset.done $0x0  }
0xa0: {  	[sflag:s22] =	ssyncadd.s32 s3;
	_ =	sdelay $0x1  }
0xa1: {  	s23 =	simm.s32 $0x1B8B  }
0xa2: {  	_ =	swait.ge [sflag:s23], $0x1  }
0xa3: {  	[sflag:s23] =	ssyncset.done $0x0  }
0xa4: {  	s25 =	simm.s32 $0x1B8E;
	s24 =	sld [smem:$0x3FFE];
	[sflag:s23] =	ssyncadd.s32 $0xFFFFFFFF  }
0xa5: {  	s26 =	simm.s32 $execute0_lowered;
	[smem:$0x3FD2] =	sst s25  }
0xa6: {  	s4 =	sshll.u32 s26, $0x1;
	_ =	strace $0x80000049;
	[dreg:$0x1] =	wrdreg $0xFFFFFFFF  }
0xa7: {  	s28 =	simm.s32 $_size_execute0_lowered;
	s2 =	sadd.s32 s2, s4;
	[dreg:$0x0] =	wrdreg $0x0  }
0xa8: {  	s4 =	sshll.u32 s28, $0x1;
	[dreg:$0x2] =	wrdreg s2  }
0xa9: {  	[dreg:$0x3] =	wrdreg s4  }
0xaa: {  	[dreg:$0x4] =	wrdreg $0xC0  }
0xab: {  	_ =	task [dreg:s6], $0x5FFFF  }
0xac: {  	[dreg:$0x1] =	wrdreg $0xFFFFFFFF  }
0xad: {  	[dreg:$0x0] =	wrdreg $0x60  }
0xae: {  	[dreg:$0x2] =	wrdreg s24  }
0xaf: {  	[dreg:$0x3] =	wrdreg $0x184000  }
0xb0: {  	[dreg:$0x4] =	wrdreg $0x9  }
0xb1: {  	_ =	task.clear_ibuf [dreg:s6], $0x5FFFF;
	_ =	strace $0x90000049  }
0xb2: {  	s29 =	simm.s32 $0x9;
	_ =	strace $0x8000004B  }
0xb3: {  	_ =	swait.ge [sflag:s29], $0x1  }
0xb4: {  	[sflag:s29] =	ssyncadd.s32 $0xFFFFFFFF  }
0xb5: {  	_ =	strace $0x9000004B  }
0xb6: {  	_ =	sfence  }
0xb7: {  	s30 =	sld [smem:$0x0];
	_ =	sdelay $0x2  }
0xb8: {  	s31 =	sshll.u32 s1, $0xD;
	s1 =	sshrl.u32 s1, $0x2  }
0xb9: {  	s3 =	sand.u32 $0x4000, s31;
	s1 =	sadd.s32 s1, s30  }
0xba: {  	s0 =	sor.u32 s3, s0;
	s1 =	sshll.u32 s1, $0x11  }
0xbb: {  	s0 =	sor.u32 s1, s0  }
0xbc: {  	s0 =	sadd.s32 $0x8F2B, s0  }
0xbd: {  	[sflag:s0] =	ssyncadd.remote.s32 $0x1  }
0xbe: {  	_ =	sfence.sel $0xFFFF  }
0xbf: {  	[dreg:$0x0] =	wrdreg $0xFFFFFFFF;
	(pc) =	sbr.abs _section_cstart, $3  }
0xc0: {  	[dreg:$0x1] =	wrdreg $0xFFFFFFFF  }
0xc1: {  	_ =	task.clear_ibuf [dreg:s6], $0x2FFFF;
	_ =	strace $0x9FFFFFFF  }
0xc2: {  	(tm) =	ssettm $0x7FFFFFFF  }
0xc3: {  	_ =	shalt  }
tec
execute0_lowered:
.L_overlay_start_1:
0x0: {  	(tag) =	ssettag $0x1  }
0x1: {  	s0 =	srdreg.scid;
	s1 =	rddreg [dreg:$0x0]  }
0x2: {  	s31 =	stileid.u32;
	s3 =	rddreg [dreg:$0x1]  }
0x3: {  	s7 =	simm.s32 $0x0;
	s15 =	simm.s32 $0x400;
	s11 =	simm.s32 $0x14400  }
0x4: {  	s30 =	simm.s32 $0x1;
	s29 =	simm.s32 $0x2;
	s12 =	simm.s32 $0x80  }
0x5: {  	s25 =	simm.s32 $0x100;
	s14 =	simm.s32 $0x3;
	p0 =	por $0x0, $0x0  }
0x6: {  	s13 =	simm.s32 $0x4;
	s0 =	sand.u32 $0x1, s0;
	[smem:$0x7FF] =	sst s7  }
0x7: {  	s16 =	sshll.u32 s31, $0x7;
	s17 =	sshll.u32 s31, $0xB;
	s18 =	sshll.u32 s31, $0xE  }
0x8: {  	s2 =	sshll.u32 s0, $0x4;
	_ =	strace $0x8000004A;
	s5 =	ssub.s32 $0x2, s0  }
0x9: {  	s6 =	sadd.s32 s16, s1;
	s10 =	sshll.u32 s0, $0xB;
	s0 =	sshll.u32 s0, $0xF  }
0xa: {  	s16 =	simm.s32 $0x4400;
	s2 =	sor.u32 s31, s2;
	s8 =	sshrl.u32 s5, $0x1  }
0xb: {  	s6 =	sadd.s32 s10, s6;
	s10 =	simm.s32 $0x10400;
	s2 =	smul.u32 $0x18000, s2  }
0xc: {  	s5 =	ssub.s32 s5, s8;
	s8 =	sadd.s32 s18, s3;
	s6 =	sadd.s32 $0x81800, s6  }
0xd: {  	s18 =	simm.s32 $0x180;
	[dreg:$0x5] =	wrdreg s6;
	s20 =	smax.u32 s5, $0x1  }
0xe: {  	s6 =	sshrl.u32 s8, $0x3;
	s5 =	simm.s32 $0x6;
	s2 =	sshrl.u32 s2, $0x3  }
0xf: {  	s8 =	simm.s32 $0x5;
	p1 =	sne.s32 s20, $0x1;
	s4 =	sadd.s32 s2, s1  }
0x10: {  	s1 =	sadd.s32 s17, s1;
	s2 =	sshll.u32 s31, $0x6;
	s17 =	simm.s32 $0x8400  }
0x11: {  	s9 =	sadd.s32 $0x61800, s1;
	s19 =	sor.u32 $0x1C01, s2;
	s21 =	sadd.s32 $0x1800, s4  }
.Ltmp0:
0x12: {  	s22 =	sadd.s32 $0x2000, s4;
	s23 =	sadd.s32 $0x2800, s4;
	(pc) =	sbr.rel @!p1 .LBB2_5-.Ltmp0, $4  }
0x13: {  	s24 =	sadd.s32 $0x3000, s4;
	s26 =	sadd.s32 $0x3800, s4;
	s28 =	sadd.s32 $0x4000, s4  }
0x14: {  	s0 =	sadd.s32 s0, s1;
	s1 =	sadd.s32 $0xFFFFFFFF, s20;
	[dreg:$0x3] =	wrdreg s9  }
0x15: {  	s20 =	simm.s32 $0x280;
	[dreg:$0x4] =	wrdreg s19;
	s4 =	sadd.s32 $0x69800, s0  }
0x16: {  	s9 =	simm.s32 $0xC400;
	s19 =	simm.s32 $0x200;
	s0 =	rddreg [dreg:$0x3]  }
0x17: {  	s31 =	rddreg [dreg:$0x4]  }
0x18: {  	[spmem:s6], [sflag:s31] =	dma.local [hbm:s0], $0x800  }
0x19: {  	s0 =	rddreg [dreg:$0x5]  }
0x1a: {  	[tilespmem:s7], [sflag:$0x6] =	stream.linear.gather [hbm4b:s0+s7], $0x300, $0x38;
	[tilespmem:$0x1C400] =	vst v63  }
0x1b: {  	_ =	swait.ge [sflag:s5], $0x300  }
0x1c: {  	[sflag:s5] =	ssyncset.done $0x0  }
0x1d: {  	[sflag:s5] =	ssyncadd.s32 $0xFFFFFD00  }
0x1e: {  	[tilespmem:s15], [sflag:$0x2] =	stream.linear.gather [hbm4b:s21+s7], $0x4000, $0x38;
	[tilespmem:$0x1C400] =	vst v63  }
0x1f: {  	_ = 	snop  }
0x20: {  	[tilespmem:s16], [sflag:$0x2] =	stream.linear.gather [hbm4b:s22+s7], $0x4000, $0x38;
	[tilespmem:$0x1C400] =	vst v63  }
0x21: {  	_ = 	snop  }
0x22: {  	[tilespmem:s17], [sflag:$0x2] =	stream.linear.gather [hbm4b:s23+s7], $0x4000, $0x38;
	[tilespmem:$0x1C400] =	vst v63  }
0x23: {  	_ = 	snop  }
0x24: {  	[tilespmem:s9], [sflag:$0x3] =	stream.linear.gather [hbm4b:s24+s7], $0x4000, $0x38;
	[tilespmem:$0x1C400] =	vst v63  }
0x25: {  	_ = 	snop  }
0x26: {  	[tilespmem:s10], [sflag:$0x3] =	stream.linear.gather [hbm4b:s26+s7], $0x4000, $0x38;
	[tilespmem:$0x1C400] =	vst v63  }
0x27: {  	_ = 	snop  }
0x28: {  	[tilespmem:s11], [sflag:$0x3] =	stream.linear.gather [hbm4b:s28+s7], $0x4000, $0x38;
	[tilespmem:$0x1C400] =	vst v63  }
0x29: {  	_ =	swait.ge [sflag:s30], $0x800  }
0x2a: {  	[sflag:s30] =	ssyncset.done $0x0  }
0x2b: {  	[sflag:s30] =	ssyncadd.s32 $0xFFFFF800  }
0x2c: {  	[bflag:$0x0] =	sbarrier.arrive $0xFFFF  }
0x2d: {  	_ =	swait.ge [sflag:s29], $0x4000  }
0x2e: {  	[sflag:s29] =	ssyncset.done $0x0  }
0x2f: {  	[sflag:s29] =	ssyncadd.s32 $0xFFFFC000  }
0x30: {  	_ =	swait.ge [sflag:s29], $0x4000  }
0x31: {  	[sflag:s29] =	ssyncset.done $0x0  }
0x32: {  	[sflag:s29] =	ssyncadd.s32 $0xFFFFC000  }
0x33: {  	_ =	swait.ge [sflag:s29], $0x4000  }
0x34: {  	[sflag:s29] =	ssyncset.done $0x0  }
0x35: {  	[sflag:s29] =	ssyncadd.s32 $0xFFFFC000  }
0x36: {  	[spmem:s3] =	stream.indirect.scatter.add.f32 [tilespmem:s15], [sflag:$0x4], $0x80, s7, s12, $0xb8;
	[tilespmem:$0x1C400] =	vst v63  }
0x37: {  	_ = 	snop  }
0x38: {  	[spmem:s3] =	stream.indirect.scatter.add.f32 [tilespmem:s16], [sflag:$0x4], $0x80, s12, s12, $0xb8;
	[tilespmem:$0x1C400] =	vst v63  }
0x39: {  	_ = 	snop  }
0x3a: {  	[spmem:s3] =	stream.indirect.scatter.add.f32 [tilespmem:s17], [sflag:$0x4], $0x80, s25, s12, $0xb8;
	[tilespmem:$0x1C400] =	vst v63  }
0x3b: {  	_ =	swait.ge [sflag:s14], $0x4000  }
0x3c: {  	[sflag:s14] =	ssyncset.done $0x0  }
0x3d: {  	[sflag:s14] =	ssyncadd.s32 $0xFFFFC000  }
0x3e: {  	_ =	swait.ge [sflag:s14], $0x4000  }
0x3f: {  	[sflag:s14] =	ssyncset.done $0x0  }
0x40: {  	[sflag:s14] =	ssyncadd.s32 $0xFFFFC000  }
0x41: {  	_ =	swait.ge [sflag:s14], $0x4000  }
0x42: {  	[sflag:s14] =	ssyncset.done $0x0  }
0x43: {  	[sflag:s14] =	ssyncadd.s32 $0xFFFFC000  }
0x44: {  	[spmem:s3] =	stream.indirect.scatter.add.f32 [tilespmem:s9], [sflag:$0x5], $0x80, s18, s12, $0xb8;
	[tilespmem:$0x1C400] =	vst v63  }
0x45: {  	_ = 	snop  }
0x46: {  	[spmem:s3] =	stream.indirect.scatter.add.f32 [tilespmem:s10], [sflag:$0x5], $0x80, s19, s12, $0xb8;
	[tilespmem:$0x1C400] =	vst v63  }
0x47: {  	_ = 	snop  }
0x48: {  	[spmem:s3] =	stream.indirect.scatter.add.f32 [tilespmem:s11], [sflag:$0x5], $0x80, s20, s12, $0xb8;
	[tilespmem:$0x1C400] =	vst v63  }
0x49: {  	_ =	swait.ge [sflag:s13], $0x4000  }
0x4a: {  	[sflag:s13] =	ssyncset.done $0x0  }
0x4b: {  	[sflag:s13] =	ssyncadd.s32 $0xFFFFC000  }
0x4c: {  	_ =	swait.ge [sflag:s13], $0x4000  }
0x4d: {  	[sflag:s13] =	ssyncset.done $0x0  }
0x4e: {  	[sflag:s13] =	ssyncadd.s32 $0xFFFFC000  }
0x4f: {  	_ =	swait.ge [sflag:s13], $0x4000  }
0x50: {  	[sflag:s13] =	ssyncset.done $0x0  }
0x51: {  	[sflag:s13] =	ssyncadd.s32 $0xFFFFC000  }
0x52: {  	_ =	swait.ge [sflag:s8], $0x4000  }
0x53: {  	[sflag:s8] =	ssyncset.done $0x0  }
0x54: {  	[sflag:s8] =	ssyncadd.s32 $0xFFFFC000  }
0x55: {  	_ =	swait.ge [sflag:s8], $0x4000  }
0x56: {  	[sflag:s8] =	ssyncset.done $0x0  }
0x57: {  	[sflag:s8] =	ssyncadd.s32 $0xFFFFC000  }
0x58: {  	_ =	swait.ge [sflag:s8], $0x4000  }
0x59: {  	[sflag:s8] =	ssyncset.done $0x0  }
0x5a: {  	p1 =	sne.s32 s1, $0x1;
	[sflag:s8] =	ssyncadd.s32 $0xFFFFC000  }
.Ltmp1:
0x5b: {  	[bflag:$0x0] =	sbarrier.arrive $0xFFFF;
	(pc) =	sbr.rel @!p1 .LBB2_2-.Ltmp1, $4  }
0x5c: {  	s31 =	sor.u32 $0x1C06, s2;
	[dreg:$0x6] =	wrdreg s2  }
0x5d: {  	[hbm:s4], [sflag:s31] =	dma.local [spmem:s6], $0x800  }
0x5e: {  	s1 =	sadd.s32 $0xFFFFFFFF, s1;
	_ =	swait.ge [sflag:s5], $0x800  }
0x5f: {  	p0 =	por $0x1, $0x1;
	s0 =	rddreg [dreg:$0x3];
	[sflag:s5] =	ssyncset.done $0x0  }
.LBB2_3:
0x60: {  	s2 =	rddreg [dreg:$0x4];
	[sflag:s5] =	ssyncadd.s32 $0xFFFFF800  }
0x61: {  	[spmem:s6], [sflag:s2] =	dma.local [hbm:s0], $0x800  }
0x62: {  	s0 =	rddreg [dreg:$0x5]  }
0x63: {  	[tilespmem:s7], [sflag:$0x6] =	stream.linear.gather [hbm4b:s0+s7], $0x300, $0x38;
	[tilespmem:$0x1C400] =	vst v63  }
0x64: {  	_ =	swait.ge [sflag:s5], $0x300  }
0x65: {  	[sflag:s5] =	ssyncset.done $0x0  }
0x66: {  	[sflag:s5] =	ssyncadd.s32 $0xFFFFFD00  }
0x67: {  	[tilespmem:s15], [sflag:$0x2] =	stream.linear.gather [hbm4b:s21+s7], $0x4000, $0x38;
	[tilespmem:$0x1C400] =	vst v63  }
0x68: {  	_ = 	snop  }
0x69: {  	[tilespmem:s16], [sflag:$0x2] =	stream.linear.gather [hbm4b:s22+s7], $0x4000, $0x38;
	[tilespmem:$0x1C400] =	vst v63  }
0x6a: {  	_ = 	snop  }
0x6b: {  	[tilespmem:s17], [sflag:$0x2] =	stream.linear.gather [hbm4b:s23+s7], $0x4000, $0x38;
	[tilespmem:$0x1C400] =	vst v63  }
0x6c: {  	_ = 	snop  }
0x6d: {  	[tilespmem:s9], [sflag:$0x3] =	stream.linear.gather [hbm4b:s24+s7], $0x4000, $0x38;
	[tilespmem:$0x1C400] =	vst v63  }
0x6e: {  	_ = 	snop  }
0x6f: {  	[tilespmem:s10], [sflag:$0x3] =	stream.linear.gather [hbm4b:s26+s7], $0x4000, $0x38;
	[tilespmem:$0x1C400] =	vst v63  }
0x70: {  	_ = 	snop  }
0x71: {  	[tilespmem:s11], [sflag:$0x3] =	stream.linear.gather [hbm4b:s28+s7], $0x4000, $0x38;
	[tilespmem:$0x1C400] =	vst v63  }
0x72: {  	_ =	swait.ge [sflag:s30], $0x800  }
0x73: {  	[sflag:s30] =	ssyncset.done $0x0  }
0x74: {  	[sflag:s30] =	ssyncadd.s32 $0xFFFFF800  }
0x75: {  	[bflag:$0x0] =	sbarrier.arrive $0xFFFF  }
0x76: {  	_ =	swait.ge [sflag:s29], $0x4000  }
0x77: {  	[sflag:s29] =	ssyncset.done $0x0  }
0x78: {  	[sflag:s29] =	ssyncadd.s32 $0xFFFFC000  }
0x79: {  	_ =	swait.ge [sflag:s29], $0x4000  }
0x7a: {  	[sflag:s29] =	ssyncset.done $0x0  }
0x7b: {  	[sflag:s29] =	ssyncadd.s32 $0xFFFFC000  }
0x7c: {  	_ =	swait.ge [sflag:s29], $0x4000  }
0x7d: {  	[sflag:s29] =	ssyncset.done $0x0  }
0x7e: {  	[sflag:s29] =	ssyncadd.s32 $0xFFFFC000  }
0x7f: {  	[spmem:s3] =	stream.indirect.scatter.add.f32 [tilespmem:s15], [sflag:$0x4], $0x80, s7, s12, $0xb8;
	[tilespmem:$0x1C400] =	vst v63  }
0x80: {  	_ = 	snop  }
0x81: {  	[spmem:s3] =	stream.indirect.scatter.add.f32 [tilespmem:s16], [sflag:$0x4], $0x80, s12, s12, $0xb8;
	[tilespmem:$0x1C400] =	vst v63  }
0x82: {  	_ = 	snop  }
0x83: {  	[spmem:s3] =	stream.indirect.scatter.add.f32 [tilespmem:s17], [sflag:$0x4], $0x80, s25, s12, $0xb8;
	[tilespmem:$0x1C400] =	vst v63  }
0x84: {  	_ =	swait.ge [sflag:s14], $0x4000  }
0x85: {  	[sflag:s14] =	ssyncset.done $0x0  }
0x86: {  	[sflag:s14] =	ssyncadd.s32 $0xFFFFC000  }
0x87: {  	_ =	swait.ge [sflag:s14], $0x4000  }
0x88: {  	[sflag:s14] =	ssyncset.done $0x0  }
0x89: {  	[sflag:s14] =	ssyncadd.s32 $0xFFFFC000  }
0x8a: {  	_ =	swait.ge [sflag:s14], $0x4000  }
0x8b: {  	[sflag:s14] =	ssyncset.done $0x0  }
0x8c: {  	[sflag:s14] =	ssyncadd.s32 $0xFFFFC000  }
0x8d: {  	[spmem:s3] =	stream.indirect.scatter.add.f32 [tilespmem:s9], [sflag:$0x5], $0x80, s18, s12, $0xb8;
	[tilespmem:$0x1C400] =	vst v63  }
0x8e: {  	_ = 	snop  }
0x8f: {  	[spmem:s3] =	stream.indirect.scatter.add.f32 [tilespmem:s10], [sflag:$0x5], $0x80, s19, s12, $0xb8;
	[tilespmem:$0x1C400] =	vst v63  }
0x90: {  	_ = 	snop  }
0x91: {  	[spmem:s3] =	stream.indirect.scatter.add.f32 [tilespmem:s11], [sflag:$0x5], $0x80, s20, s12, $0xb8;
	[tilespmem:$0x1C400] =	vst v63  }
0x92: {  	_ =	swait.ge [sflag:s13], $0x4000  }
0x93: {  	[sflag:s13] =	ssyncset.done $0x0  }
0x94: {  	[sflag:s13] =	ssyncadd.s32 $0xFFFFC000  }
0x95: {  	_ =	swait.ge [sflag:s13], $0x4000  }
0x96: {  	[sflag:s13] =	ssyncset.done $0x0  }
0x97: {  	[sflag:s13] =	ssyncadd.s32 $0xFFFFC000  }
0x98: {  	_ =	swait.ge [sflag:s13], $0x4000  }
0x99: {  	[sflag:s13] =	ssyncset.done $0x0  }
0x9a: {  	[sflag:s13] =	ssyncadd.s32 $0xFFFFC000  }
0x9b: {  	_ =	swait.ge [sflag:s8], $0x4000  }
0x9c: {  	[sflag:s8] =	ssyncset.done $0x0  }
0x9d: {  	[sflag:s8] =	ssyncadd.s32 $0xFFFFC000  }
0x9e: {  	_ =	swait.ge [sflag:s8], $0x4000  }
0x9f: {  	[sflag:s8] =	ssyncset.done $0x0  }
0xa0: {  	[sflag:s8] =	ssyncadd.s32 $0xFFFFC000  }
0xa1: {  	_ =	swait.ge [sflag:s8], $0x4000  }
0xa2: {  	p1 =	sne.s32 s1, $0x1;
	[sflag:s8] =	ssyncset.done $0x0  }
.Ltmp2:
0xa3: {  	[sflag:s8] =	ssyncadd.s32 $0xFFFFC000;
	(pc) =	sbr.rel @p1 .LBB2_3-.Ltmp2, $4  }
0xa4: {  	[bflag:$0x0] =	sbarrier.arrive $0xFFFF  }
0xa5: {  	[hbm:s4], [sflag:s31] =	dma.local [spmem:s6], $0x800  }
0xa6: {  	_ =	swait.ge [sflag:s5], $0x800  }
0xa7: {  	s1 =	sadd.s32 $0xFFFFFFFF, s1;
	s0 =	rddreg [dreg:$0x3];
	[sflag:s5] =	ssyncset.done $0x0  }
0xa8: {  	s31 =	stileid.u32;
	s2 =	rddreg [dreg:$0x6]  }
.LBB2_5:
0xa9: {  	s1 =	rddreg [dreg:$0x4];
	[sflag:s5] =	ssyncadd.s32 @p0 $0xFFFFF800  }
0xaa: {  	[spmem:s6], [sflag:s1] =	dma.local [hbm:s0], $0x800  }
0xab: {  	s0 =	rddreg [dreg:$0x5]  }
0xac: {  	[tilespmem:s7], [sflag:$0x6] =	stream.linear.gather [hbm4b:s0+s7], $0x300, $0x38;
	[tilespmem:$0x1C400] =	vst v63  }
0xad: {  	_ =	swait.ge [sflag:s5], $0x300  }
0xae: {  	[sflag:s5] =	ssyncset.done $0x0  }
0xaf: {  	[sflag:s5] =	ssyncadd.s32 $0xFFFFFD00  }
0xb0: {  	[tilespmem:s15], [sflag:$0x2] =	stream.linear.gather [hbm4b:s21+s7], $0x4000, $0x38;
	[tilespmem:$0x1C400] =	vst v63  }
0xb1: {  	_ = 	snop  }
0xb2: {  	[tilespmem:s16], [sflag:$0x2] =	stream.linear.gather [hbm4b:s22+s7], $0x4000, $0x38;
	[tilespmem:$0x1C400] =	vst v63  }
0xb3: {  	_ = 	snop  }
0xb4: {  	[tilespmem:s17], [sflag:$0x2] =	stream.linear.gather [hbm4b:s23+s7], $0x4000, $0x38;
	[tilespmem:$0x1C400] =	vst v63  }
0xb5: {  	_ = 	snop  }
0xb6: {  	[tilespmem:s9], [sflag:$0x3] =	stream.linear.gather [hbm4b:s24+s7], $0x4000, $0x38;
	[tilespmem:$0x1C400] =	vst v63  }
0xb7: {  	_ = 	snop  }
0xb8: {  	[tilespmem:s10], [sflag:$0x3] =	stream.linear.gather [hbm4b:s26+s7], $0x4000, $0x38;
	[tilespmem:$0x1C400] =	vst v63  }
0xb9: {  	_ = 	snop  }
0xba: {  	[tilespmem:s11], [sflag:$0x3] =	stream.linear.gather [hbm4b:s28+s7], $0x4000, $0x38;
	[tilespmem:$0x1C400] =	vst v63  }
0xbb: {  	_ =	swait.ge [sflag:s30], $0x800  }
0xbc: {  	[sflag:s30] =	ssyncset.done $0x0  }
0xbd: {  	[sflag:s30] =	ssyncadd.s32 $0xFFFFF800  }
0xbe: {  	[bflag:$0x0] =	sbarrier.arrive $0xFFFF  }
0xbf: {  	_ =	swait.ge [sflag:s29], $0x4000  }
0xc0: {  	[sflag:s29] =	ssyncset.done $0x0  }
0xc1: {  	[sflag:s29] =	ssyncadd.s32 $0xFFFFC000  }
0xc2: {  	_ =	swait.ge [sflag:s29], $0x4000  }
0xc3: {  	[sflag:s29] =	ssyncset.done $0x0  }
0xc4: {  	[sflag:s29] =	ssyncadd.s32 $0xFFFFC000  }
0xc5: {  	_ =	swait.ge [sflag:s29], $0x4000  }
0xc6: {  	[sflag:s29] =	ssyncset.done $0x0  }
0xc7: {  	[sflag:s29] =	ssyncadd.s32 $0xFFFFC000  }
0xc8: {  	[spmem:s3] =	stream.indirect.scatter.add.f32 [tilespmem:s15], [sflag:$0x4], $0x80, s7, s12, $0xb8;
	[tilespmem:$0x1C400] =	vst v63  }
0xc9: {  	_ = 	snop  }
0xca: {  	[spmem:s3] =	stream.indirect.scatter.add.f32 [tilespmem:s16], [sflag:$0x4], $0x80, s12, s12, $0xb8;
	[tilespmem:$0x1C400] =	vst v63  }
0xcb: {  	_ = 	snop  }
0xcc: {  	[spmem:s3] =	stream.indirect.scatter.add.f32 [tilespmem:s17], [sflag:$0x4], $0x80, s25, s12, $0xb8;
	[tilespmem:$0x1C400] =	vst v63  }
0xcd: {  	_ =	swait.ge [sflag:s14], $0x4000  }
0xce: {  	[sflag:s14] =	ssyncset.done $0x0  }
0xcf: {  	[sflag:s14] =	ssyncadd.s32 $0xFFFFC000  }
0xd0: {  	_ =	swait.ge [sflag:s14], $0x4000  }
0xd1: {  	[sflag:s14] =	ssyncset.done $0x0  }
0xd2: {  	[sflag:s14] =	ssyncadd.s32 $0xFFFFC000  }
0xd3: {  	_ =	swait.ge [sflag:s14], $0x4000  }
0xd4: {  	[sflag:s14] =	ssyncset.done $0x0  }
0xd5: {  	[sflag:s14] =	ssyncadd.s32 $0xFFFFC000  }
0xd6: {  	[spmem:s3] =	stream.indirect.scatter.add.f32 [tilespmem:s9], [sflag:$0x5], $0x80, s18, s12, $0xb8;
	[tilespmem:$0x1C400] =	vst v63  }
0xd7: {  	_ = 	snop  }
0xd8: {  	[spmem:s3] =	stream.indirect.scatter.add.f32 [tilespmem:s10], [sflag:$0x5], $0x80, s19, s12, $0xb8;
	[tilespmem:$0x1C400] =	vst v63  }
0xd9: {  	_ = 	snop  }
0xda: {  	[spmem:s3] =	stream.indirect.scatter.add.f32 [tilespmem:s11], [sflag:$0x5], $0x80, s20, s12, $0xb8;
	[tilespmem:$0x1C400] =	vst v63  }
0xdb: {  	_ =	swait.ge [sflag:s13], $0x4000  }
0xdc: {  	[sflag:s13] =	ssyncset.done $0x0  }
0xdd: {  	[sflag:s13] =	ssyncadd.s32 $0xFFFFC000  }
0xde: {  	_ =	swait.ge [sflag:s13], $0x4000  }
0xdf: {  	[sflag:s13] =	ssyncset.done $0x0  }
0xe0: {  	[sflag:s13] =	ssyncadd.s32 $0xFFFFC000  }
0xe1: {  	_ =	swait.ge [sflag:s13], $0x4000  }
0xe2: {  	[sflag:s13] =	ssyncset.done $0x0  }
0xe3: {  	[sflag:s13] =	ssyncadd.s32 $0xFFFFC000  }
0xe4: {  	_ =	swait.ge [sflag:s8], $0x4000  }
0xe5: {  	[sflag:s8] =	ssyncset.done $0x0  }
0xe6: {  	[sflag:s8] =	ssyncadd.s32 $0xFFFFC000  }
0xe7: {  	_ =	swait.ge [sflag:s8], $0x4000  }
0xe8: {  	[sflag:s8] =	ssyncset.done $0x0  }
0xe9: {  	[sflag:s8] =	ssyncadd.s32 $0xFFFFC000  }
0xea: {  	_ =	swait.ge [sflag:s8], $0x4000  }
0xeb: {  	[sflag:s8] =	ssyncset.done $0x0  }
0xec: {  	[sflag:s8] =	ssyncadd.s32 $0xFFFFC000  }
0xed: {  	s30 =	sor.u32 $0x1C06, s2;
	[bflag:$0x0] =	sbarrier.arrive $0xFFFF  }
0xee: {  	[hbm:s4], [sflag:s30] =	dma.local [spmem:s6], $0x800  }
0xef: {  	_ =	swait.ge [sflag:s5], $0x800  }
0xf0: {  	[sflag:s5] =	ssyncset.done $0x0  }
0xf1: {  	[sflag:s5] =	ssyncadd.s32 $0xFFFFF800  }
0xf2: {  	_ =	sfence.sel $0x180000  }
0xf3: {  	[bflag:$0x0] =	sbarrier.arrive $0xFFFF  }
0xf4: {  	_ =	strace $0x9000004A  }
0xf5: {  	[bflag:$0x2] =	sbarrier.arrive $0xFFFF  }
0xf6: {  	p0 =	sne.s32 s31, $0x0;
	s0 =	rddreg [dreg:$0x2]  }
0xf7: {  	s0 =	sadd.s32 @!p0 $0x100000, s0  }
0xf8: {  	[sflag:s0] =	ssyncadd.tile.s32 @!p0 $0x1;
	_ =	shalt  }
.LBB2_2:
.Ltmp3:
0xf9: {  	(pc) =	sbr.rel .LBB2_5-.Ltmp3, $2  }
0xfa: {  	_ =	sdelay $0x2  }
0xfb: {  	s31 =	stileid.u32;
	s2 =	rddreg [dreg:$0x6]  }
.Lfunc_end2:
_tile_overlayer_lowered:
.L_overlay_start_2:
0xfc: {  	(tag) =	ssettag $0x2  }
0xfd: {  	s0 =	rddreg [dreg:$0x0];
	s2 =	stileid.u32  }
0xfe: {  	s1 =	rddreg [dreg:$0x1];
	p0 =	sne.s32 s2, $0x0  }
0xff: {  	s3 =	rddreg [dreg:$0x2];
	[bflag:$0x3] =	sbarrier.arrive $0xFFFF;
	s2 =	simm.s32 @!p0 $0x1C06  }
0x100: {  	[timem:s3], [sflag:s2] =	dma.local @!p0 [hbm:s0], s1  }
0x101: {  	s0 =	simm.s32 @!p0 $0x6  }
0x102: {  	_ =	swait.ge @!p0 [sflag:s0], s1  }
0x103: {  	s1 =	ssub.s32 @!p0 $0x0, s1;
	[sflag:s0] =	ssyncset.done @!p0 $0x0  }
0x104: {  	[sflag:s0] =	ssyncadd.s32 @!p0 s1  }
0x105: {  	[bflag:$0x3] =	sbarrier.arrive $0xFFFF  }
0x106: {  	_ =	shalt  }

</sc_bundles>
